<compile_context>
chip_gen: v7x
topology: tpu7x:2x2x1
jax: 0.10.2.dev20260603
libtpu: 0.0.44.dev20260713+nightly
codegen_flags: <defaults>
</compile_context>

<pallas_src>
import functools

import jax
import jax.numpy as jnp
from jax import lax
from jax.experimental import pallas as pl
from jax.experimental.pallas import tpu as pltpu
from jax.experimental.pallas import tpu_sc as plsc


def _make_sc_gather(c, d, b):
    info = plsc.get_sparse_core_info()
    nc, ns, lanes = info.num_cores, info.num_subcores, info.num_lanes
    nw = nc * ns
    assert d % lanes == 0 and b % (128 * nw) == 0
    bpw = b // nw
    chunks = bpw // 128
    mesh = plsc.VectorSubcoreMesh(core_axis_name="c", subcore_axis_name="s")

    @functools.partial(
        pl.kernel, mesh=mesh,
        out_type=jax.ShapeDtypeStruct((b, d), jnp.float32),
        compiler_params=pltpu.CompilerParams(use_tc_tiling_on_sc=False),
        scratch_types=[
            pltpu.VMEM((chunks, 128), jnp.int32),
            pltpu.VMEM((bpw, d), jnp.float32),
            pltpu.SemaphoreType.DMA,
        ],
    )
    def gather_k(table_hbm, idx_hbm, out_hbm, idx_v, rows_v, sem):
        wid = lax.axis_index("s") * nc + lax.axis_index("c")
        pltpu.sync_copy(idx_hbm.at[pl.ds(wid * chunks, chunks)], idx_v)
        copies = [
            pltpu.async_copy(table_hbm.at[idx_v.at[j]],
                             rows_v.at[pl.ds(j * 128, 128)], sem)
            for j in range(chunks)
        ]
        for cp in copies:
            cp.wait()
        pltpu.sync_copy(rows_v, out_hbm.at[pl.ds(wid * bpw, bpw)])

    return gather_k


def kernel(x, embed):
    x = x.astype(jnp.float32)
    shape = x.shape
    d = shape[-1]
    c = embed.shape[1]

    fl = x.reshape(1, -1, d)
    b = fl.shape[1]
    x2 = jnp.sum(fl * fl, axis=-1, keepdims=True)
    e2 = jnp.sum(embed * embed, axis=-1)
    cross = jnp.einsum('hnd,hcd->hnc', fl, embed)
    d2 = jnp.maximum(x2 - 2.0 * cross + e2[:, None, :], 0.0)
    dist = -jnp.sqrt(d2)
    idx = jnp.argmax(dist, axis=-1)[0]

    emb2d = embed.reshape(c, d)
    gather_k = _make_sc_gather(c, d, b)
    quant = gather_k(emb2d, idx.reshape(b // 128, 128))

    quantize = quant.reshape(shape)
    embed_ind = idx.reshape(shape[:-1])
    return quantize, embed_ind

# --- scband reference (transcript-rebuilt; emitter-appended) ---
"""Pipeline reference for scband-euclidean-codebook-9706626089876 (READ-ONLY COPY).

The authoritative reference and input builder live on the scoring server;
editing this copy changes nothing except your own understanding.
"""

import jax, jax.numpy as jnp
import numpy as np

NUM_CODEBOOKS = 1
CODEBOOK_SIZE = 8192
DIM = 32

def setup_inputs(seed: int = 0) -> dict:
    key = jax.random.key(seed)
    k1, k2 = jax.random.split(key)
    x = jax.random.normal(k1, (64, 1024, DIM), dtype=jnp.float32)
    # kaiming_uniform_ init for embed buffer of shape (num_codebooks, codebook_size, dim)
    fan_in = CODEBOOK_SIZE * DIM
    bound = float(np.sqrt(3.0) * np.sqrt(2.0) / np.sqrt(fan_in))
    embed = jax.random.uniform(k2, (NUM_CODEBOOKS, CODEBOOK_SIZE, DIM), dtype=jnp.float32, minval=-bound, maxval=bound)
    return {"x": x, "embed": embed}

def reference(x, embed):
    # Faithful eval-mode forward of EuclideanCodebook (sample_codebook_temp=0 -> argmax,
    # initted=True so kmeans init is a no-op, not training so no EMA updates).
    needs_codebook_dim = x.ndim < 4
    x = x.astype(jnp.float32)
    if needs_codebook_dim:
        x = x[None, ...]  # '... -> 1 ...'
    shape = x.shape
    flatten = x.reshape(shape[0], -1, shape[-1])  # 'h ... d -> h (...) d'
    # dist = -torch.cdist(flatten, embed, p=2)
    x2 = jnp.sum(flatten * flatten, axis=-1, keepdims=True)
    e2 = jnp.sum(embed * embed, axis=-1)
    cross = jnp.einsum('hnd,hcd->hnc', flatten, embed)
    d2 = jnp.maximum(x2 - 2.0 * cross + e2[:, None, :], 0.0)
    dist = -jnp.sqrt(d2)
    # gumbel_sample with temperature=0 -> plain argmax
    embed_ind_flat = jnp.argmax(dist, axis=-1)  # (h, n)
    embed_ind = embed_ind_flat.reshape(shape[:-1])
    # batched_embedding: gather codes per codebook
    quantize_flat = jax.vmap(lambda e, i: jnp.take(e, i, axis=0))(embed, embed_ind_flat)  # (h, n, d)
    quantize = quantize_flat.reshape(shape)
    if needs_codebook_dim:
        quantize = quantize[0]
        embed_ind = embed_ind[0]
    return quantize, embed_ind

if __name__ == "__main__":
    import jax
    _d = setup_inputs()
    print(jax.jit(kernel)(*tuple(_d.values())))

</pallas_src>

<mosaic_0001>
#map = affine_map<(d0, d1) -> (0, 0)>
module attributes {stable_mosaic.version = 14 : i64} {
  func.func @gather_k(%arg0: i32, %arg1: i32, %arg2: memref<8192x32xf32, #tpu.memory_space<hbm>>, %arg3: memref<512x128xi32, #tpu.memory_space<hbm>>, %arg4: memref<65536x32xf32, #tpu.memory_space<hbm>>, %arg5: memref<16x128xi32, #tpu.memory_space<vmem>>, %arg6: memref<2048x32xf32, #tpu.memory_space<vmem>>, %arg7: memref<!tpu.dma_semaphore, #tpu.memory_space<semaphore_mem>>) attributes {dimension_semantics = [#tpu.dimension_semantics<core_parallel>, #tpu.dimension_semantics<subcore_parallel>], iteration_bounds = array<i64: 2, 16>, scalar_prefetch = 0 : i64, scratch_operands = 3 : i64, tpu.core_type = #tpu.core_type<sc_vector_subcore>, window_params = [{transform_indices = #map}, {transform_indices = #map}, {transform_indices = #map}]} {
    %mul3A = arith.constant 2 : i32
    %mul3A_0 = arith.muli %arg1, %mul3A : i32
    %add3A = arith.addi %mul3A_0, %arg0 : i32
    %mul3A_1 = arith.constant 16 : i32
    %mul3A_2 = arith.muli %add3A, %mul3A_1 : i32
    "tpu.region"() ({
      %run_scoped3A = tpu.sem_alloc : memref<!tpu.dma_semaphore, #tpu.memory_space<semaphore_mem>>
      %dma_start3A_323 = arith.constant 0 : i32
      %dma_start3A_324 = tpu.memref_slice %arg3[%mul3A_2, %dma_start3A_323] : memref<512x128xi32, #tpu.memory_space<hbm>> -> memref<16x128xi32, #tpu.memory_space<hbm>>
      %dma_start3A_325 = arith.constant 0 : i32
      %dma_start3A_326 = tpu.memref_slice %arg3[%mul3A_2, %dma_start3A_325] : memref<512x128xi32, #tpu.memory_space<hbm>> -> memref<16x128xi32, #tpu.memory_space<hbm>>
      tpu.enqueue_dma source(%dma_start3A_326 : memref<16x128xi32, #tpu.memory_space<hbm>>) target(%arg5 : memref<16x128xi32, #tpu.memory_space<vmem>>) target_semaphore(%run_scoped3A : memref<!tpu.dma_semaphore, #tpu.memory_space<semaphore_mem>>)
      %dma_wait3A_327 = arith.constant 0 : i32
      %dma_wait3A_328 = tpu.memref_slice %arg3[%mul3A_2, %dma_wait3A_327] : memref<512x128xi32, #tpu.memory_space<hbm>> -> memref<16x128xi32, #tpu.memory_space<hbm>>
      %dma_wait3A_329 = arith.constant 0 : i32
      %dma_wait3A_330 = tpu.memref_slice %arg3[%mul3A_2, %dma_wait3A_329] : memref<512x128xi32, #tpu.memory_space<hbm>> -> memref<16x128xi32, #tpu.memory_space<hbm>>
      tpu.wait_dma2 semaphore(%run_scoped3A : memref<!tpu.dma_semaphore, #tpu.memory_space<semaphore_mem>>) src(%dma_wait3A_330 : memref<16x128xi32, #tpu.memory_space<hbm>>) dst(%arg5 : memref<16x128xi32, #tpu.memory_space<vmem>>)
      tpu.yield
    }) : () -> ()
    %dma_start3A = arith.constant 0 : i32
    %dma_start3A_3 = arith.constant 0 : i32
    %dma_start3A_4 = arith.constant 0 : i32
    %dma_start3A_5 = tpu.memref_slice %arg6[%dma_start3A_3, %dma_start3A_4] : memref<2048x32xf32, #tpu.memory_space<vmem>> -> memref<128x32xf32, #tpu.memory_space<vmem>>
    %dma_start3A_6 = arith.constant 0 : i32
    %dma_start3A_7 = tpu.memref_slice %arg5[%dma_start3A, %dma_start3A_6] : memref<16x128xi32, #tpu.memory_space<vmem>> -> memref<1x128xi32, #tpu.memory_space<vmem>>
    %dma_start3A_8 = tpu.memref_squeeze %dma_start3A_7 : memref<1x128xi32, #tpu.memory_space<vmem>> -> memref<128xi32, #tpu.memory_space<vmem>>
    %dma_start3A_9 = arith.constant 0 : i32
    %dma_start3A_10 = arith.constant 0 : i32
    %dma_start3A_11 = tpu.memref_slice %arg2[%dma_start3A_9, %dma_start3A_10] : memref<8192x32xf32, #tpu.memory_space<hbm>> -> memref<8192x32xf32, #tpu.memory_space<hbm>>
    tpu.enqueue_indirect_dma source(%dma_start3A_11 : memref<8192x32xf32, #tpu.memory_space<hbm>>) target(%dma_start3A_5 : memref<128x32xf32, #tpu.memory_space<vmem>>) offsets(%dma_start3A_8 : memref<128xi32, #tpu.memory_space<vmem>>) semaphore(%arg7 : memref<!tpu.dma_semaphore, #tpu.memory_space<semaphore_mem>>)
    %dma_start3A_12 = arith.constant 1 : i32
    %dma_start3A_13 = arith.constant 128 : i32
    %dma_start3A_14 = arith.constant 0 : i32
    %dma_start3A_15 = tpu.memref_slice %arg6[%dma_start3A_13, %dma_start3A_14] : memref<2048x32xf32, #tpu.memory_space<vmem>> -> memref<128x32xf32, #tpu.memory_space<vmem>>
    %dma_start3A_16 = arith.constant 0 : i32
    %dma_start3A_17 = tpu.memref_slice %arg5[%dma_start3A_12, %dma_start3A_16] : memref<16x128xi32, #tpu.memory_space<vmem>> -> memref<1x128xi32, #tpu.memory_space<vmem>>
    %dma_start3A_18 = tpu.memref_squeeze %dma_start3A_17 : memref<1x128xi32, #tpu.memory_space<vmem>> -> memref<128xi32, #tpu.memory_space<vmem>>
    %dma_start3A_19 = arith.constant 0 : i32
    %dma_start3A_20 = arith.constant 0 : i32
    %dma_start3A_21 = tpu.memref_slice %arg2[%dma_start3A_19, %dma_start3A_20] : memref<8192x32xf32, #tpu.memory_space<hbm>> -> memref<8192x32xf32, #tpu.memory_space<hbm>>
    tpu.enqueue_indirect_dma source(%dma_start3A_21 : memref<8192x32xf32, #tpu.memory_space<hbm>>) target(%dma_start3A_15 : memref<128x32xf32, #tpu.memory_space<vmem>>) offsets(%dma_start3A_18 : memref<128xi32, #tpu.memory_space<vmem>>) semaphore(%arg7 : memref<!tpu.dma_semaphore, #tpu.memory_space<semaphore_mem>>)
    %dma_start3A_22 = arith.constant 2 : i32
    %dma_start3A_23 = arith.constant 256 : i32
    %dma_start3A_24 = arith.constant 0 : i32
    %dma_start3A_25 = tpu.memref_slice %arg6[%dma_start3A_23, %dma_start3A_24] : memref<2048x32xf32, #tpu.memory_space<vmem>> -> memref<128x32xf32, #tpu.memory_space<vmem>>
    %dma_start3A_26 = arith.constant 0 : i32
    %dma_start3A_27 = tpu.memref_slice %arg5[%dma_start3A_22, %dma_start3A_26] : memref<16x128xi32, #tpu.memory_space<vmem>> -> memref<1x128xi32, #tpu.memory_space<vmem>>
    %dma_start3A_28 = tpu.memref_squeeze %dma_start3A_27 : memref<1x128xi32, #tpu.memory_space<vmem>> -> memref<128xi32, #tpu.memory_space<vmem>>
    %dma_start3A_29 = arith.constant 0 : i32
    %dma_start3A_30 = arith.constant 0 : i32
    %dma_start3A_31 = tpu.memref_slice %arg2[%dma_start3A_29, %dma_start3A_30] : memref<8192x32xf32, #tpu.memory_space<hbm>> -> memref<8192x32xf32, #tpu.memory_space<hbm>>
    tpu.enqueue_indirect_dma source(%dma_start3A_31 : memref<8192x32xf32, #tpu.memory_space<hbm>>) target(%dma_start3A_25 : memref<128x32xf32, #tpu.memory_space<vmem>>) offsets(%dma_start3A_28 : memref<128xi32, #tpu.memory_space<vmem>>) semaphore(%arg7 : memref<!tpu.dma_semaphore, #tpu.memory_space<semaphore_mem>>)
    %dma_start3A_32 = arith.constant 3 : i32
    %dma_start3A_33 = arith.constant 384 : i32
    %dma_start3A_34 = arith.constant 0 : i32
    %dma_start3A_35 = tpu.memref_slice %arg6[%dma_start3A_33, %dma_start3A_34] : memref<2048x32xf32, #tpu.memory_space<vmem>> -> memref<128x32xf32, #tpu.memory_space<vmem>>
    %dma_start3A_36 = arith.constant 0 : i32
    %dma_start3A_37 = tpu.memref_slice %arg5[%dma_start3A_32, %dma_start3A_36] : memref<16x128xi32, #tpu.memory_space<vmem>> -> memref<1x128xi32, #tpu.memory_space<vmem>>
    %dma_start3A_38 = tpu.memref_squeeze %dma_start3A_37 : memref<1x128xi32, #tpu.memory_space<vmem>> -> memref<128xi32, #tpu.memory_space<vmem>>
    %dma_start3A_39 = arith.constant 0 : i32
    %dma_start3A_40 = arith.constant 0 : i32
    %dma_start3A_41 = tpu.memref_slice %arg2[%dma_start3A_39, %dma_start3A_40] : memref<8192x32xf32, #tpu.memory_space<hbm>> -> memref<8192x32xf32, #tpu.memory_space<hbm>>
    tpu.enqueue_indirect_dma source(%dma_start3A_41 : memref<8192x32xf32, #tpu.memory_space<hbm>>) target(%dma_start3A_35 : memref<128x32xf32, #tpu.memory_space<vmem>>) offsets(%dma_start3A_38 : memref<128xi32, #tpu.memory_space<vmem>>) semaphore(%arg7 : memref<!tpu.dma_semaphore, #tpu.memory_space<semaphore_mem>>)
    %dma_start3A_42 = arith.constant 4 : i32
    %dma_start3A_43 = arith.constant 512 : i32
    %dma_start3A_44 = arith.constant 0 : i32
    %dma_start3A_45 = tpu.memref_slice %arg6[%dma_start3A_43, %dma_start3A_44] : memref<2048x32xf32, #tpu.memory_space<vmem>> -> memref<128x32xf32, #tpu.memory_space<vmem>>
    %dma_start3A_46 = arith.constant 0 : i32
    %dma_start3A_47 = tpu.memref_slice %arg5[%dma_start3A_42, %dma_start3A_46] : memref<16x128xi32, #tpu.memory_space<vmem>> -> memref<1x128xi32, #tpu.memory_space<vmem>>
    %dma_start3A_48 = tpu.memref_squeeze %dma_start3A_47 : memref<1x128xi32, #tpu.memory_space<vmem>> -> memref<128xi32, #tpu.memory_space<vmem>>
    %dma_start3A_49 = arith.constant 0 : i32
    %dma_start3A_50 = arith.constant 0 : i32
    %dma_start3A_51 = tpu.memref_slice %arg2[%dma_start3A_49, %dma_start3A_50] : memref<8192x32xf32, #tpu.memory_space<hbm>> -> memref<8192x32xf32, #tpu.memory_space<hbm>>
    tpu.enqueue_indirect_dma source(%dma_start3A_51 : memref<8192x32xf32, #tpu.memory_space<hbm>>) target(%dma_start3A_45 : memref<128x32xf32, #tpu.memory_space<vmem>>) offsets(%dma_start3A_48 : memref<128xi32, #tpu.memory_space<vmem>>) semaphore(%arg7 : memref<!tpu.dma_semaphore, #tpu.memory_space<semaphore_mem>>)
    %dma_start3A_52 = arith.constant 5 : i32
    %dma_start3A_53 = arith.constant 640 : i32
    %dma_start3A_54 = arith.constant 0 : i32
    %dma_start3A_55 = tpu.memref_slice %arg6[%dma_start3A_53, %dma_start3A_54] : memref<2048x32xf32, #tpu.memory_space<vmem>> -> memref<128x32xf32, #tpu.memory_space<vmem>>
    %dma_start3A_56 = arith.constant 0 : i32
    %dma_start3A_57 = tpu.memref_slice %arg5[%dma_start3A_52, %dma_start3A_56] : memref<16x128xi32, #tpu.memory_space<vmem>> -> memref<1x128xi32, #tpu.memory_space<vmem>>
    %dma_start3A_58 = tpu.memref_squeeze %dma_start3A_57 : memref<1x128xi32, #tpu.memory_space<vmem>> -> memref<128xi32, #tpu.memory_space<vmem>>
    %dma_start3A_59 = arith.constant 0 : i32
    %dma_start3A_60 = arith.constant 0 : i32
    %dma_start3A_61 = tpu.memref_slice %arg2[%dma_start3A_59, %dma_start3A_60] : memref<8192x32xf32, #tpu.memory_space<hbm>> -> memref<8192x32xf32, #tpu.memory_space<hbm>>
    tpu.enqueue_indirect_dma source(%dma_start3A_61 : memref<8192x32xf32, #tpu.memory_space<hbm>>) target(%dma_start3A_55 : memref<128x32xf32, #tpu.memory_space<vmem>>) offsets(%dma_start3A_58 : memref<128xi32, #tpu.memory_space<vmem>>) semaphore(%arg7 : memref<!tpu.dma_semaphore, #tpu.memory_space<semaphore_mem>>)
    %dma_start3A_62 = arith.constant 6 : i32
    %dma_start3A_63 = arith.constant 768 : i32
    %dma_start3A_64 = arith.constant 0 : i32
    %dma_start3A_65 = tpu.memref_slice %arg6[%dma_start3A_63, %dma_start3A_64] : memref<2048x32xf32, #tpu.memory_space<vmem>> -> memref<128x32xf32, #tpu.memory_space<vmem>>
    %dma_start3A_66 = arith.constant 0 : i32
    %dma_start3A_67 = tpu.memref_slice %arg5[%dma_start3A_62, %dma_start3A_66] : memref<16x128xi32, #tpu.memory_space<vmem>> -> memref<1x128xi32, #tpu.memory_space<vmem>>
    %dma_start3A_68 = tpu.memref_squeeze %dma_start3A_67 : memref<1x128xi32, #tpu.memory_space<vmem>> -> memref<128xi32, #tpu.memory_space<vmem>>
    %dma_start3A_69 = arith.constant 0 : i32
    %dma_start3A_70 = arith.constant 0 : i32
    %dma_start3A_71 = tpu.memref_slice %arg2[%dma_start3A_69, %dma_start3A_70] : memref<8192x32xf32, #tpu.memory_space<hbm>> -> memref<8192x32xf32, #tpu.memory_space<hbm>>
    tpu.enqueue_indirect_dma source(%dma_start3A_71 : memref<8192x32xf32, #tpu.memory_space<hbm>>) target(%dma_start3A_65 : memref<128x32xf32, #tpu.memory_space<vmem>>) offsets(%dma_start3A_68 : memref<128xi32, #tpu.memory_space<vmem>>) semaphore(%arg7 : memref<!tpu.dma_semaphore, #tpu.memory_space<semaphore_mem>>)
    %dma_start3A_72 = arith.constant 7 : i32
    %dma_start3A_73 = arith.constant 896 : i32
    %dma_start3A_74 = arith.constant 0 : i32
    %dma_start3A_75 = tpu.memref_slice %arg6[%dma_start3A_73, %dma_start3A_74] : memref<2048x32xf32, #tpu.memory_space<vmem>> -> memref<128x32xf32, #tpu.memory_space<vmem>>
    %dma_start3A_76 = arith.constant 0 : i32
    %dma_start3A_77 = tpu.memref_slice %arg5[%dma_start3A_72, %dma_start3A_76] : memref<16x128xi32, #tpu.memory_space<vmem>> -> memref<1x128xi32, #tpu.memory_space<vmem>>
    %dma_start3A_78 = tpu.memref_squeeze %dma_start3A_77 : memref<1x128xi32, #tpu.memory_space<vmem>> -> memref<128xi32, #tpu.memory_space<vmem>>
    %dma_start3A_79 = arith.constant 0 : i32
    %dma_start3A_80 = arith.constant 0 : i32
    %dma_start3A_81 = tpu.memref_slice %arg2[%dma_start3A_79, %dma_start3A_80] : memref<8192x32xf32, #tpu.memory_space<hbm>> -> memref<8192x32xf32, #tpu.memory_space<hbm>>
    tpu.enqueue_indirect_dma source(%dma_start3A_81 : memref<8192x32xf32, #tpu.memory_space<hbm>>) target(%dma_start3A_75 : memref<128x32xf32, #tpu.memory_space<vmem>>) offsets(%dma_start3A_78 : memref<128xi32, #tpu.memory_space<vmem>>) semaphore(%arg7 : memref<!tpu.dma_semaphore, #tpu.memory_space<semaphore_mem>>)
    %dma_start3A_82 = arith.constant 8 : i32
    %dma_start3A_83 = arith.constant 1024 : i32
    %dma_start3A_84 = arith.constant 0 : i32
    %dma_start3A_85 = tpu.memref_slice %arg6[%dma_start3A_83, %dma_start3A_84] : memref<2048x32xf32, #tpu.memory_space<vmem>> -> memref<128x32xf32, #tpu.memory_space<vmem>>
    %dma_start3A_86 = arith.constant 0 : i32
    %dma_start3A_87 = tpu.memref_slice %arg5[%dma_start3A_82, %dma_start3A_86] : memref<16x128xi32, #tpu.memory_space<vmem>> -> memref<1x128xi32, #tpu.memory_space<vmem>>
    %dma_start3A_88 = tpu.memref_squeeze %dma_start3A_87 : memref<1x128xi32, #tpu.memory_space<vmem>> -> memref<128xi32, #tpu.memory_space<vmem>>
    %dma_start3A_89 = arith.constant 0 : i32
    %dma_start3A_90 = arith.constant 0 : i32
    %dma_start3A_91 = tpu.memref_slice %arg2[%dma_start3A_89, %dma_start3A_90] : memref<8192x32xf32, #tpu.memory_space<hbm>> -> memref<8192x32xf32, #tpu.memory_space<hbm>>
    tpu.enqueue_indirect_dma source(%dma_start3A_91 : memref<8192x32xf32, #tpu.memory_space<hbm>>) target(%dma_start3A_85 : memref<128x32xf32, #tpu.memory_space<vmem>>) offsets(%dma_start3A_88 : memref<128xi32, #tpu.memory_space<vmem>>) semaphore(%arg7 : memref<!tpu.dma_semaphore, #tpu.memory_space<semaphore_mem>>)
    %dma_start3A_92 = arith.constant 9 : i32
    %dma_start3A_93 = arith.constant 1152 : i32
    %dma_start3A_94 = arith.constant 0 : i32
    %dma_start3A_95 = tpu.memref_slice %arg6[%dma_start3A_93, %dma_start3A_94] : memref<2048x32xf32, #tpu.memory_space<vmem>> -> memref<128x32xf32, #tpu.memory_space<vmem>>
    %dma_start3A_96 = arith.constant 0 : i32
    %dma_start3A_97 = tpu.memref_slice %arg5[%dma_start3A_92, %dma_start3A_96] : memref<16x128xi32, #tpu.memory_space<vmem>> -> memref<1x128xi32, #tpu.memory_space<vmem>>
    %dma_start3A_98 = tpu.memref_squeeze %dma_start3A_97 : memref<1x128xi32, #tpu.memory_space<vmem>> -> memref<128xi32, #tpu.memory_space<vmem>>
    %dma_start3A_99 = arith.constant 0 : i32
    %dma_start3A_100 = arith.constant 0 : i32
    %dma_start3A_101 = tpu.memref_slice %arg2[%dma_start3A_99, %dma_start3A_100] : memref<8192x32xf32, #tpu.memory_space<hbm>> -> memref<8192x32xf32, #tpu.memory_space<hbm>>
    tpu.enqueue_indirect_dma source(%dma_start3A_101 : memref<8192x32xf32, #tpu.memory_space<hbm>>) target(%dma_start3A_95 : memref<128x32xf32, #tpu.memory_space<vmem>>) offsets(%dma_start3A_98 : memref<128xi32, #tpu.memory_space<vmem>>) semaphore(%arg7 : memref<!tpu.dma_semaphore, #tpu.memory_space<semaphore_mem>>)
    %dma_start3A_102 = arith.constant 10 : i32
    %dma_start3A_103 = arith.constant 1280 : i32
    %dma_start3A_104 = arith.constant 0 : i32
    %dma_start3A_105 = tpu.memref_slice %arg6[%dma_start3A_103, %dma_start3A_104] : memref<2048x32xf32, #tpu.memory_space<vmem>> -> memref<128x32xf32, #tpu.memory_space<vmem>>
    %dma_start3A_106 = arith.constant 0 : i32
    %dma_start3A_107 = tpu.memref_slice %arg5[%dma_start3A_102, %dma_start3A_106] : memref<16x128xi32, #tpu.memory_space<vmem>> -> memref<1x128xi32, #tpu.memory_space<vmem>>
    %dma_start3A_108 = tpu.memref_squeeze %dma_start3A_107 : memref<1x128xi32, #tpu.memory_space<vmem>> -> memref<128xi32, #tpu.memory_space<vmem>>
    %dma_start3A_109 = arith.constant 0 : i32
    %dma_start3A_110 = arith.constant 0 : i32
    %dma_start3A_111 = tpu.memref_slice %arg2[%dma_start3A_109, %dma_start3A_110] : memref<8192x32xf32, #tpu.memory_space<hbm>> -> memref<8192x32xf32, #tpu.memory_space<hbm>>
    tpu.enqueue_indirect_dma source(%dma_start3A_111 : memref<8192x32xf32, #tpu.memory_space<hbm>>) target(%dma_start3A_105 : memref<128x32xf32, #tpu.memory_space<vmem>>) offsets(%dma_start3A_108 : memref<128xi32, #tpu.memory_space<vmem>>) semaphore(%arg7 : memref<!tpu.dma_semaphore, #tpu.memory_space<semaphore_mem>>)
    %dma_start3A_112 = arith.constant 11 : i32
    %dma_start3A_113 = arith.constant 1408 : i32
    %dma_start3A_114 = arith.constant 0 : i32
    %dma_start3A_115 = tpu.memref_slice %arg6[%dma_start3A_113, %dma_start3A_114] : memref<2048x32xf32, #tpu.memory_space<vmem>> -> memref<128x32xf32, #tpu.memory_space<vmem>>
    %dma_start3A_116 = arith.constant 0 : i32
    %dma_start3A_117 = tpu.memref_slice %arg5[%dma_start3A_112, %dma_start3A_116] : memref<16x128xi32, #tpu.memory_space<vmem>> -> memref<1x128xi32, #tpu.memory_space<vmem>>
    %dma_start3A_118 = tpu.memref_squeeze %dma_start3A_117 : memref<1x128xi32, #tpu.memory_space<vmem>> -> memref<128xi32, #tpu.memory_space<vmem>>
    %dma_start3A_119 = arith.constant 0 : i32
    %dma_start3A_120 = arith.constant 0 : i32
    %dma_start3A_121 = tpu.memref_slice %arg2[%dma_start3A_119, %dma_start3A_120] : memref<8192x32xf32, #tpu.memory_space<hbm>> -> memref<8192x32xf32, #tpu.memory_space<hbm>>
    tpu.enqueue_indirect_dma source(%dma_start3A_121 : memref<8192x32xf32, #tpu.memory_space<hbm>>) target(%dma_start3A_115 : memref<128x32xf32, #tpu.memory_space<vmem>>) offsets(%dma_start3A_118 : memref<128xi32, #tpu.memory_space<vmem>>) semaphore(%arg7 : memref<!tpu.dma_semaphore, #tpu.memory_space<semaphore_mem>>)
    %dma_start3A_122 = arith.constant 12 : i32
    %dma_start3A_123 = arith.constant 1536 : i32
    %dma_start3A_124 = arith.constant 0 : i32
    %dma_start3A_125 = tpu.memref_slice %arg6[%dma_start3A_123, %dma_start3A_124] : memref<2048x32xf32, #tpu.memory_space<vmem>> -> memref<128x32xf32, #tpu.memory_space<vmem>>
    %dma_start3A_126 = arith.constant 0 : i32
    %dma_start3A_127 = tpu.memref_slice %arg5[%dma_start3A_122, %dma_start3A_126] : memref<16x128xi32, #tpu.memory_space<vmem>> -> memref<1x128xi32, #tpu.memory_space<vmem>>
    %dma_start3A_128 = tpu.memref_squeeze %dma_start3A_127 : memref<1x128xi32, #tpu.memory_space<vmem>> -> memref<128xi32, #tpu.memory_space<vmem>>
    %dma_start3A_129 = arith.constant 0 : i32
    %dma_start3A_130 = arith.constant 0 : i32
    %dma_start3A_131 = tpu.memref_slice %arg2[%dma_start3A_129, %dma_start3A_130] : memref<8192x32xf32, #tpu.memory_space<hbm>> -> memref<8192x32xf32, #tpu.memory_space<hbm>>
    tpu.enqueue_indirect_dma source(%dma_start3A_131 : memref<8192x32xf32, #tpu.memory_space<hbm>>) target(%dma_start3A_125 : memref<128x32xf32, #tpu.memory_space<vmem>>) offsets(%dma_start3A_128 : memref<128xi32, #tpu.memory_space<vmem>>) semaphore(%arg7 : memref<!tpu.dma_semaphore, #tpu.memory_space<semaphore_mem>>)
    %dma_start3A_132 = arith.constant 13 : i32
    %dma_start3A_133 = arith.constant 1664 : i32
    %dma_start3A_134 = arith.constant 0 : i32
    %dma_start3A_135 = tpu.memref_slice %arg6[%dma_start3A_133, %dma_start3A_134] : memref<2048x32xf32, #tpu.memory_space<vmem>> -> memref<128x32xf32, #tpu.memory_space<vmem>>
    %dma_start3A_136 = arith.constant 0 : i32
    %dma_start3A_137 = tpu.memref_slice %arg5[%dma_start3A_132, %dma_start3A_136] : memref<16x128xi32, #tpu.memory_space<vmem>> -> memref<1x128xi32, #tpu.memory_space<vmem>>
    %dma_start3A_138 = tpu.memref_squeeze %dma_start3A_137 : memref<1x128xi32, #tpu.memory_space<vmem>> -> memref<128xi32, #tpu.memory_space<vmem>>
    %dma_start3A_139 = arith.constant 0 : i32
    %dma_start3A_140 = arith.constant 0 : i32
    %dma_start3A_141 = tpu.memref_slice %arg2[%dma_start3A_139, %dma_start3A_140] : memref<8192x32xf32, #tpu.memory_space<hbm>> -> memref<8192x32xf32, #tpu.memory_space<hbm>>
    tpu.enqueue_indirect_dma source(%dma_start3A_141 : memref<8192x32xf32, #tpu.memory_space<hbm>>) target(%dma_start3A_135 : memref<128x32xf32, #tpu.memory_space<vmem>>) offsets(%dma_start3A_138 : memref<128xi32, #tpu.memory_space<vmem>>) semaphore(%arg7 : memref<!tpu.dma_semaphore, #tpu.memory_space<semaphore_mem>>)
    %dma_start3A_142 = arith.constant 14 : i32
    %dma_start3A_143 = arith.constant 1792 : i32
    %dma_start3A_144 = arith.constant 0 : i32
    %dma_start3A_145 = tpu.memref_slice %arg6[%dma_start3A_143, %dma_start3A_144] : memref<2048x32xf32, #tpu.memory_space<vmem>> -> memref<128x32xf32, #tpu.memory_space<vmem>>
    %dma_start3A_146 = arith.constant 0 : i32
    %dma_start3A_147 = tpu.memref_slice %arg5[%dma_start3A_142, %dma_start3A_146] : memref<16x128xi32, #tpu.memory_space<vmem>> -> memref<1x128xi32, #tpu.memory_space<vmem>>
    %dma_start3A_148 = tpu.memref_squeeze %dma_start3A_147 : memref<1x128xi32, #tpu.memory_space<vmem>> -> memref<128xi32, #tpu.memory_space<vmem>>
    %dma_start3A_149 = arith.constant 0 : i32
    %dma_start3A_150 = arith.constant 0 : i32
    %dma_start3A_151 = tpu.memref_slice %arg2[%dma_start3A_149, %dma_start3A_150] : memref<8192x32xf32, #tpu.memory_space<hbm>> -> memref<8192x32xf32, #tpu.memory_space<hbm>>
    tpu.enqueue_indirect_dma source(%dma_start3A_151 : memref<8192x32xf32, #tpu.memory_space<hbm>>) target(%dma_start3A_145 : memref<128x32xf32, #tpu.memory_space<vmem>>) offsets(%dma_start3A_148 : memref<128xi32, #tpu.memory_space<vmem>>) semaphore(%arg7 : memref<!tpu.dma_semaphore, #tpu.memory_space<semaphore_mem>>)
    %dma_start3A_152 = arith.constant 15 : i32
    %dma_start3A_153 = arith.constant 1920 : i32
    %dma_start3A_154 = arith.constant 0 : i32
    %dma_start3A_155 = tpu.memref_slice %arg6[%dma_start3A_153, %dma_start3A_154] : memref<2048x32xf32, #tpu.memory_space<vmem>> -> memref<128x32xf32, #tpu.memory_space<vmem>>
    %dma_start3A_156 = arith.constant 0 : i32
    %dma_start3A_157 = tpu.memref_slice %arg5[%dma_start3A_152, %dma_start3A_156] : memref<16x128xi32, #tpu.memory_space<vmem>> -> memref<1x128xi32, #tpu.memory_space<vmem>>
    %dma_start3A_158 = tpu.memref_squeeze %dma_start3A_157 : memref<1x128xi32, #tpu.memory_space<vmem>> -> memref<128xi32, #tpu.memory_space<vmem>>
    %dma_start3A_159 = arith.constant 0 : i32
    %dma_start3A_160 = arith.constant 0 : i32
    %dma_start3A_161 = tpu.memref_slice %arg2[%dma_start3A_159, %dma_start3A_160] : memref<8192x32xf32, #tpu.memory_space<hbm>> -> memref<8192x32xf32, #tpu.memory_space<hbm>>
    tpu.enqueue_indirect_dma source(%dma_start3A_161 : memref<8192x32xf32, #tpu.memory_space<hbm>>) target(%dma_start3A_155 : memref<128x32xf32, #tpu.memory_space<vmem>>) offsets(%dma_start3A_158 : memref<128xi32, #tpu.memory_space<vmem>>) semaphore(%arg7 : memref<!tpu.dma_semaphore, #tpu.memory_space<semaphore_mem>>)
    %dma_wait3A = arith.constant 0 : i32
    %dma_wait3A_162 = arith.constant 0 : i32
    %dma_wait3A_163 = arith.constant 0 : i32
    %dma_wait3A_164 = tpu.memref_slice %arg6[%dma_wait3A_162, %dma_wait3A_163] : memref<2048x32xf32, #tpu.memory_space<vmem>> -> memref<128x32xf32, #tpu.memory_space<vmem>>
    %dma_wait3A_165 = arith.constant 0 : i32
    %dma_wait3A_166 = tpu.memref_slice %arg5[%dma_wait3A, %dma_wait3A_165] : memref<16x128xi32, #tpu.memory_space<vmem>> -> memref<1x128xi32, #tpu.memory_space<vmem>>
    %dma_wait3A_167 = tpu.memref_squeeze %dma_wait3A_166 : memref<1x128xi32, #tpu.memory_space<vmem>> -> memref<128xi32, #tpu.memory_space<vmem>>
    %dma_wait3A_168 = arith.constant 0 : i32
    %dma_wait3A_169 = arith.constant 0 : i32
    %dma_wait3A_170 = tpu.memref_slice %arg2[%dma_wait3A_168, %dma_wait3A_169] : memref<8192x32xf32, #tpu.memory_space<hbm>> -> memref<8192x32xf32, #tpu.memory_space<hbm>>
    tpu.wait_indirect_dma semaphore(%arg7 : memref<!tpu.dma_semaphore, #tpu.memory_space<semaphore_mem>>) src(%dma_wait3A_170 : memref<8192x32xf32, #tpu.memory_space<hbm>>) dst(%dma_wait3A_164 : memref<128x32xf32, #tpu.memory_space<vmem>>)
    %dma_wait3A_171 = arith.constant 1 : i32
    %dma_wait3A_172 = arith.constant 128 : i32
    %dma_wait3A_173 = arith.constant 0 : i32
    %dma_wait3A_174 = tpu.memref_slice %arg6[%dma_wait3A_172, %dma_wait3A_173] : memref<2048x32xf32, #tpu.memory_space<vmem>> -> memref<128x32xf32, #tpu.memory_space<vmem>>
    %dma_wait3A_175 = arith.constant 0 : i32
    %dma_wait3A_176 = tpu.memref_slice %arg5[%dma_wait3A_171, %dma_wait3A_175] : memref<16x128xi32, #tpu.memory_space<vmem>> -> memref<1x128xi32, #tpu.memory_space<vmem>>
    %dma_wait3A_177 = tpu.memref_squeeze %dma_wait3A_176 : memref<1x128xi32, #tpu.memory_space<vmem>> -> memref<128xi32, #tpu.memory_space<vmem>>
    %dma_wait3A_178 = arith.constant 0 : i32
    %dma_wait3A_179 = arith.constant 0 : i32
    %dma_wait3A_180 = tpu.memref_slice %arg2[%dma_wait3A_178, %dma_wait3A_179] : memref<8192x32xf32, #tpu.memory_space<hbm>> -> memref<8192x32xf32, #tpu.memory_space<hbm>>
    tpu.wait_indirect_dma semaphore(%arg7 : memref<!tpu.dma_semaphore, #tpu.memory_space<semaphore_mem>>) src(%dma_wait3A_180 : memref<8192x32xf32, #tpu.memory_space<hbm>>) dst(%dma_wait3A_174 : memref<128x32xf32, #tpu.memory_space<vmem>>)
    %dma_wait3A_181 = arith.constant 2 : i32
    %dma_wait3A_182 = arith.constant 256 : i32
    %dma_wait3A_183 = arith.constant 0 : i32
    %dma_wait3A_184 = tpu.memref_slice %arg6[%dma_wait3A_182, %dma_wait3A_183] : memref<2048x32xf32, #tpu.memory_space<vmem>> -> memref<128x32xf32, #tpu.memory_space<vmem>>
    %dma_wait3A_185 = arith.constant 0 : i32
    %dma_wait3A_186 = tpu.memref_slice %arg5[%dma_wait3A_181, %dma_wait3A_185] : memref<16x128xi32, #tpu.memory_space<vmem>> -> memref<1x128xi32, #tpu.memory_space<vmem>>
    %dma_wait3A_187 = tpu.memref_squeeze %dma_wait3A_186 : memref<1x128xi32, #tpu.memory_space<vmem>> -> memref<128xi32, #tpu.memory_space<vmem>>
    %dma_wait3A_188 = arith.constant 0 : i32
    %dma_wait3A_189 = arith.constant 0 : i32
    %dma_wait3A_190 = tpu.memref_slice %arg2[%dma_wait3A_188, %dma_wait3A_189] : memref<8192x32xf32, #tpu.memory_space<hbm>> -> memref<8192x32xf32, #tpu.memory_space<hbm>>
    tpu.wait_indirect_dma semaphore(%arg7 : memref<!tpu.dma_semaphore, #tpu.memory_space<semaphore_mem>>) src(%dma_wait3A_190 : memref<8192x32xf32, #tpu.memory_space<hbm>>) dst(%dma_wait3A_184 : memref<128x32xf32, #tpu.memory_space<vmem>>)
    %dma_wait3A_191 = arith.constant 3 : i32
    %dma_wait3A_192 = arith.constant 384 : i32
    %dma_wait3A_193 = arith.constant 0 : i32
    %dma_wait3A_194 = tpu.memref_slice %arg6[%dma_wait3A_192, %dma_wait3A_193] : memref<2048x32xf32, #tpu.memory_space<vmem>> -> memref<128x32xf32, #tpu.memory_space<vmem>>
    %dma_wait3A_195 = arith.constant 0 : i32
    %dma_wait3A_196 = tpu.memref_slice %arg5[%dma_wait3A_191, %dma_wait3A_195] : memref<16x128xi32, #tpu.memory_space<vmem>> -> memref<1x128xi32, #tpu.memory_space<vmem>>
    %dma_wait3A_197 = tpu.memref_squeeze %dma_wait3A_196 : memref<1x128xi32, #tpu.memory_space<vmem>> -> memref<128xi32, #tpu.memory_space<vmem>>
    %dma_wait3A_198 = arith.constant 0 : i32
    %dma_wait3A_199 = arith.constant 0 : i32
    %dma_wait3A_200 = tpu.memref_slice %arg2[%dma_wait3A_198, %dma_wait3A_199] : memref<8192x32xf32, #tpu.memory_space<hbm>> -> memref<8192x32xf32, #tpu.memory_space<hbm>>
    tpu.wait_indirect_dma semaphore(%arg7 : memref<!tpu.dma_semaphore, #tpu.memory_space<semaphore_mem>>) src(%dma_wait3A_200 : memref<8192x32xf32, #tpu.memory_space<hbm>>) dst(%dma_wait3A_194 : memref<128x32xf32, #tpu.memory_space<vmem>>)
    %dma_wait3A_201 = arith.constant 4 : i32
    %dma_wait3A_202 = arith.constant 512 : i32
    %dma_wait3A_203 = arith.constant 0 : i32
    %dma_wait3A_204 = tpu.memref_slice %arg6[%dma_wait3A_202, %dma_wait3A_203] : memref<2048x32xf32, #tpu.memory_space<vmem>> -> memref<128x32xf32, #tpu.memory_space<vmem>>
    %dma_wait3A_205 = arith.constant 0 : i32
    %dma_wait3A_206 = tpu.memref_slice %arg5[%dma_wait3A_201, %dma_wait3A_205] : memref<16x128xi32, #tpu.memory_space<vmem>> -> memref<1x128xi32, #tpu.memory_space<vmem>>
    %dma_wait3A_207 = tpu.memref_squeeze %dma_wait3A_206 : memref<1x128xi32, #tpu.memory_space<vmem>> -> memref<128xi32, #tpu.memory_space<vmem>>
    %dma_wait3A_208 = arith.constant 0 : i32
    %dma_wait3A_209 = arith.constant 0 : i32
    %dma_wait3A_210 = tpu.memref_slice %arg2[%dma_wait3A_208, %dma_wait3A_209] : memref<8192x32xf32, #tpu.memory_space<hbm>> -> memref<8192x32xf32, #tpu.memory_space<hbm>>
    tpu.wait_indirect_dma semaphore(%arg7 : memref<!tpu.dma_semaphore, #tpu.memory_space<semaphore_mem>>) src(%dma_wait3A_210 : memref<8192x32xf32, #tpu.memory_space<hbm>>) dst(%dma_wait3A_204 : memref<128x32xf32, #tpu.memory_space<vmem>>)
    %dma_wait3A_211 = arith.constant 5 : i32
    %dma_wait3A_212 = arith.constant 640 : i32
    %dma_wait3A_213 = arith.constant 0 : i32
    %dma_wait3A_214 = tpu.memref_slice %arg6[%dma_wait3A_212, %dma_wait3A_213] : memref<2048x32xf32, #tpu.memory_space<vmem>> -> memref<128x32xf32, #tpu.memory_space<vmem>>
    %dma_wait3A_215 = arith.constant 0 : i32
    %dma_wait3A_216 = tpu.memref_slice %arg5[%dma_wait3A_211, %dma_wait3A_215] : memref<16x128xi32, #tpu.memory_space<vmem>> -> memref<1x128xi32, #tpu.memory_space<vmem>>
    %dma_wait3A_217 = tpu.memref_squeeze %dma_wait3A_216 : memref<1x128xi32, #tpu.memory_space<vmem>> -> memref<128xi32, #tpu.memory_space<vmem>>
    %dma_wait3A_218 = arith.constant 0 : i32
    %dma_wait3A_219 = arith.constant 0 : i32
    %dma_wait3A_220 = tpu.memref_slice %arg2[%dma_wait3A_218, %dma_wait3A_219] : memref<8192x32xf32, #tpu.memory_space<hbm>> -> memref<8192x32xf32, #tpu.memory_space<hbm>>
    tpu.wait_indirect_dma semaphore(%arg7 : memref<!tpu.dma_semaphore, #tpu.memory_space<semaphore_mem>>) src(%dma_wait3A_220 : memref<8192x32xf32, #tpu.memory_space<hbm>>) dst(%dma_wait3A_214 : memref<128x32xf32, #tpu.memory_space<vmem>>)
    %dma_wait3A_221 = arith.constant 6 : i32
    %dma_wait3A_222 = arith.constant 768 : i32
    %dma_wait3A_223 = arith.constant 0 : i32
    %dma_wait3A_224 = tpu.memref_slice %arg6[%dma_wait3A_222, %dma_wait3A_223] : memref<2048x32xf32, #tpu.memory_space<vmem>> -> memref<128x32xf32, #tpu.memory_space<vmem>>
    %dma_wait3A_225 = arith.constant 0 : i32
    %dma_wait3A_226 = tpu.memref_slice %arg5[%dma_wait3A_221, %dma_wait3A_225] : memref<16x128xi32, #tpu.memory_space<vmem>> -> memref<1x128xi32, #tpu.memory_space<vmem>>
    %dma_wait3A_227 = tpu.memref_squeeze %dma_wait3A_226 : memref<1x128xi32, #tpu.memory_space<vmem>> -> memref<128xi32, #tpu.memory_space<vmem>>
    %dma_wait3A_228 = arith.constant 0 : i32
    %dma_wait3A_229 = arith.constant 0 : i32
    %dma_wait3A_230 = tpu.memref_slice %arg2[%dma_wait3A_228, %dma_wait3A_229] : memref<8192x32xf32, #tpu.memory_space<hbm>> -> memref<8192x32xf32, #tpu.memory_space<hbm>>
    tpu.wait_indirect_dma semaphore(%arg7 : memref<!tpu.dma_semaphore, #tpu.memory_space<semaphore_mem>>) src(%dma_wait3A_230 : memref<8192x32xf32, #tpu.memory_space<hbm>>) dst(%dma_wait3A_224 : memref<128x32xf32, #tpu.memory_space<vmem>>)
    %dma_wait3A_231 = arith.constant 7 : i32
    %dma_wait3A_232 = arith.constant 896 : i32
    %dma_wait3A_233 = arith.constant 0 : i32
    %dma_wait3A_234 = tpu.memref_slice %arg6[%dma_wait3A_232, %dma_wait3A_233] : memref<2048x32xf32, #tpu.memory_space<vmem>> -> memref<128x32xf32, #tpu.memory_space<vmem>>
    %dma_wait3A_235 = arith.constant 0 : i32
    %dma_wait3A_236 = tpu.memref_slice %arg5[%dma_wait3A_231, %dma_wait3A_235] : memref<16x128xi32, #tpu.memory_space<vmem>> -> memref<1x128xi32, #tpu.memory_space<vmem>>
    %dma_wait3A_237 = tpu.memref_squeeze %dma_wait3A_236 : memref<1x128xi32, #tpu.memory_space<vmem>> -> memref<128xi32, #tpu.memory_space<vmem>>
    %dma_wait3A_238 = arith.constant 0 : i32
    %dma_wait3A_239 = arith.constant 0 : i32
    %dma_wait3A_240 = tpu.memref_slice %arg2[%dma_wait3A_238, %dma_wait3A_239] : memref<8192x32xf32, #tpu.memory_space<hbm>> -> memref<8192x32xf32, #tpu.memory_space<hbm>>
    tpu.wait_indirect_dma semaphore(%arg7 : memref<!tpu.dma_semaphore, #tpu.memory_space<semaphore_mem>>) src(%dma_wait3A_240 : memref<8192x32xf32, #tpu.memory_space<hbm>>) dst(%dma_wait3A_234 : memref<128x32xf32, #tpu.memory_space<vmem>>)
    %dma_wait3A_241 = arith.constant 8 : i32
    %dma_wait3A_242 = arith.constant 1024 : i32
    %dma_wait3A_243 = arith.constant 0 : i32
    %dma_wait3A_244 = tpu.memref_slice %arg6[%dma_wait3A_242, %dma_wait3A_243] : memref<2048x32xf32, #tpu.memory_space<vmem>> -> memref<128x32xf32, #tpu.memory_space<vmem>>
    %dma_wait3A_245 = arith.constant 0 : i32
    %dma_wait3A_246 = tpu.memref_slice %arg5[%dma_wait3A_241, %dma_wait3A_245] : memref<16x128xi32, #tpu.memory_space<vmem>> -> memref<1x128xi32, #tpu.memory_space<vmem>>
    %dma_wait3A_247 = tpu.memref_squeeze %dma_wait3A_246 : memref<1x128xi32, #tpu.memory_space<vmem>> -> memref<128xi32, #tpu.memory_space<vmem>>
    %dma_wait3A_248 = arith.constant 0 : i32
    %dma_wait3A_249 = arith.constant 0 : i32
    %dma_wait3A_250 = tpu.memref_slice %arg2[%dma_wait3A_248, %dma_wait3A_249] : memref<8192x32xf32, #tpu.memory_space<hbm>> -> memref<8192x32xf32, #tpu.memory_space<hbm>>
    tpu.wait_indirect_dma semaphore(%arg7 : memref<!tpu.dma_semaphore, #tpu.memory_space<semaphore_mem>>) src(%dma_wait3A_250 : memref<8192x32xf32, #tpu.memory_space<hbm>>) dst(%dma_wait3A_244 : memref<128x32xf32, #tpu.memory_space<vmem>>)
    %dma_wait3A_251 = arith.constant 9 : i32
    %dma_wait3A_252 = arith.constant 1152 : i32
    %dma_wait3A_253 = arith.constant 0 : i32
    %dma_wait3A_254 = tpu.memref_slice %arg6[%dma_wait3A_252, %dma_wait3A_253] : memref<2048x32xf32, #tpu.memory_space<vmem>> -> memref<128x32xf32, #tpu.memory_space<vmem>>
    %dma_wait3A_255 = arith.constant 0 : i32
    %dma_wait3A_256 = tpu.memref_slice %arg5[%dma_wait3A_251, %dma_wait3A_255] : memref<16x128xi32, #tpu.memory_space<vmem>> -> memref<1x128xi32, #tpu.memory_space<vmem>>
    %dma_wait3A_257 = tpu.memref_squeeze %dma_wait3A_256 : memref<1x128xi32, #tpu.memory_space<vmem>> -> memref<128xi32, #tpu.memory_space<vmem>>
    %dma_wait3A_258 = arith.constant 0 : i32
    %dma_wait3A_259 = arith.constant 0 : i32
    %dma_wait3A_260 = tpu.memref_slice %arg2[%dma_wait3A_258, %dma_wait3A_259] : memref<8192x32xf32, #tpu.memory_space<hbm>> -> memref<8192x32xf32, #tpu.memory_space<hbm>>
    tpu.wait_indirect_dma semaphore(%arg7 : memref<!tpu.dma_semaphore, #tpu.memory_space<semaphore_mem>>) src(%dma_wait3A_260 : memref<8192x32xf32, #tpu.memory_space<hbm>>) dst(%dma_wait3A_254 : memref<128x32xf32, #tpu.memory_space<vmem>>)
    %dma_wait3A_261 = arith.constant 10 : i32
    %dma_wait3A_262 = arith.constant 1280 : i32
    %dma_wait3A_263 = arith.constant 0 : i32
    %dma_wait3A_264 = tpu.memref_slice %arg6[%dma_wait3A_262, %dma_wait3A_263] : memref<2048x32xf32, #tpu.memory_space<vmem>> -> memref<128x32xf32, #tpu.memory_space<vmem>>
    %dma_wait3A_265 = arith.constant 0 : i32
    %dma_wait3A_266 = tpu.memref_slice %arg5[%dma_wait3A_261, %dma_wait3A_265] : memref<16x128xi32, #tpu.memory_space<vmem>> -> memref<1x128xi32, #tpu.memory_space<vmem>>
    %dma_wait3A_267 = tpu.memref_squeeze %dma_wait3A_266 : memref<1x128xi32, #tpu.memory_space<vmem>> -> memref<128xi32, #tpu.memory_space<vmem>>
    %dma_wait3A_268 = arith.constant 0 : i32
    %dma_wait3A_269 = arith.constant 0 : i32
    %dma_wait3A_270 = tpu.memref_slice %arg2[%dma_wait3A_268, %dma_wait3A_269] : memref<8192x32xf32, #tpu.memory_space<hbm>> -> memref<8192x32xf32, #tpu.memory_space<hbm>>
    tpu.wait_indirect_dma semaphore(%arg7 : memref<!tpu.dma_semaphore, #tpu.memory_space<semaphore_mem>>) src(%dma_wait3A_270 : memref<8192x32xf32, #tpu.memory_space<hbm>>) dst(%dma_wait3A_264 : memref<128x32xf32, #tpu.memory_space<vmem>>)
    %dma_wait3A_271 = arith.constant 11 : i32
    %dma_wait3A_272 = arith.constant 1408 : i32
    %dma_wait3A_273 = arith.constant 0 : i32
    %dma_wait3A_274 = tpu.memref_slice %arg6[%dma_wait3A_272, %dma_wait3A_273] : memref<2048x32xf32, #tpu.memory_space<vmem>> -> memref<128x32xf32, #tpu.memory_space<vmem>>
    %dma_wait3A_275 = arith.constant 0 : i32
    %dma_wait3A_276 = tpu.memref_slice %arg5[%dma_wait3A_271, %dma_wait3A_275] : memref<16x128xi32, #tpu.memory_space<vmem>> -> memref<1x128xi32, #tpu.memory_space<vmem>>
    %dma_wait3A_277 = tpu.memref_squeeze %dma_wait3A_276 : memref<1x128xi32, #tpu.memory_space<vmem>> -> memref<128xi32, #tpu.memory_space<vmem>>
    %dma_wait3A_278 = arith.constant 0 : i32
    %dma_wait3A_279 = arith.constant 0 : i32
    %dma_wait3A_280 = tpu.memref_slice %arg2[%dma_wait3A_278, %dma_wait3A_279] : memref<8192x32xf32, #tpu.memory_space<hbm>> -> memref<8192x32xf32, #tpu.memory_space<hbm>>
    tpu.wait_indirect_dma semaphore(%arg7 : memref<!tpu.dma_semaphore, #tpu.memory_space<semaphore_mem>>) src(%dma_wait3A_280 : memref<8192x32xf32, #tpu.memory_space<hbm>>) dst(%dma_wait3A_274 : memref<128x32xf32, #tpu.memory_space<vmem>>)
    %dma_wait3A_281 = arith.constant 12 : i32
    %dma_wait3A_282 = arith.constant 1536 : i32
    %dma_wait3A_283 = arith.constant 0 : i32
    %dma_wait3A_284 = tpu.memref_slice %arg6[%dma_wait3A_282, %dma_wait3A_283] : memref<2048x32xf32, #tpu.memory_space<vmem>> -> memref<128x32xf32, #tpu.memory_space<vmem>>
    %dma_wait3A_285 = arith.constant 0 : i32
    %dma_wait3A_286 = tpu.memref_slice %arg5[%dma_wait3A_281, %dma_wait3A_285] : memref<16x128xi32, #tpu.memory_space<vmem>> -> memref<1x128xi32, #tpu.memory_space<vmem>>
    %dma_wait3A_287 = tpu.memref_squeeze %dma_wait3A_286 : memref<1x128xi32, #tpu.memory_space<vmem>> -> memref<128xi32, #tpu.memory_space<vmem>>
    %dma_wait3A_288 = arith.constant 0 : i32
    %dma_wait3A_289 = arith.constant 0 : i32
    %dma_wait3A_290 = tpu.memref_slice %arg2[%dma_wait3A_288, %dma_wait3A_289] : memref<8192x32xf32, #tpu.memory_space<hbm>> -> memref<8192x32xf32, #tpu.memory_space<hbm>>
    tpu.wait_indirect_dma semaphore(%arg7 : memref<!tpu.dma_semaphore, #tpu.memory_space<semaphore_mem>>) src(%dma_wait3A_290 : memref<8192x32xf32, #tpu.memory_space<hbm>>) dst(%dma_wait3A_284 : memref<128x32xf32, #tpu.memory_space<vmem>>)
    %dma_wait3A_291 = arith.constant 13 : i32
    %dma_wait3A_292 = arith.constant 1664 : i32
    %dma_wait3A_293 = arith.constant 0 : i32
    %dma_wait3A_294 = tpu.memref_slice %arg6[%dma_wait3A_292, %dma_wait3A_293] : memref<2048x32xf32, #tpu.memory_space<vmem>> -> memref<128x32xf32, #tpu.memory_space<vmem>>
    %dma_wait3A_295 = arith.constant 0 : i32
    %dma_wait3A_296 = tpu.memref_slice %arg5[%dma_wait3A_291, %dma_wait3A_295] : memref<16x128xi32, #tpu.memory_space<vmem>> -> memref<1x128xi32, #tpu.memory_space<vmem>>
    %dma_wait3A_297 = tpu.memref_squeeze %dma_wait3A_296 : memref<1x128xi32, #tpu.memory_space<vmem>> -> memref<128xi32, #tpu.memory_space<vmem>>
    %dma_wait3A_298 = arith.constant 0 : i32
    %dma_wait3A_299 = arith.constant 0 : i32
    %dma_wait3A_300 = tpu.memref_slice %arg2[%dma_wait3A_298, %dma_wait3A_299] : memref<8192x32xf32, #tpu.memory_space<hbm>> -> memref<8192x32xf32, #tpu.memory_space<hbm>>
    tpu.wait_indirect_dma semaphore(%arg7 : memref<!tpu.dma_semaphore, #tpu.memory_space<semaphore_mem>>) src(%dma_wait3A_300 : memref<8192x32xf32, #tpu.memory_space<hbm>>) dst(%dma_wait3A_294 : memref<128x32xf32, #tpu.memory_space<vmem>>)
    %dma_wait3A_301 = arith.constant 14 : i32
    %dma_wait3A_302 = arith.constant 1792 : i32
    %dma_wait3A_303 = arith.constant 0 : i32
    %dma_wait3A_304 = tpu.memref_slice %arg6[%dma_wait3A_302, %dma_wait3A_303] : memref<2048x32xf32, #tpu.memory_space<vmem>> -> memref<128x32xf32, #tpu.memory_space<vmem>>
    %dma_wait3A_305 = arith.constant 0 : i32
    %dma_wait3A_306 = tpu.memref_slice %arg5[%dma_wait3A_301, %dma_wait3A_305] : memref<16x128xi32, #tpu.memory_space<vmem>> -> memref<1x128xi32, #tpu.memory_space<vmem>>
    %dma_wait3A_307 = tpu.memref_squeeze %dma_wait3A_306 : memref<1x128xi32, #tpu.memory_space<vmem>> -> memref<128xi32, #tpu.memory_space<vmem>>
    %dma_wait3A_308 = arith.constant 0 : i32
    %dma_wait3A_309 = arith.constant 0 : i32
    %dma_wait3A_310 = tpu.memref_slice %arg2[%dma_wait3A_308, %dma_wait3A_309] : memref<8192x32xf32, #tpu.memory_space<hbm>> -> memref<8192x32xf32, #tpu.memory_space<hbm>>
    tpu.wait_indirect_dma semaphore(%arg7 : memref<!tpu.dma_semaphore, #tpu.memory_space<semaphore_mem>>) src(%dma_wait3A_310 : memref<8192x32xf32, #tpu.memory_space<hbm>>) dst(%dma_wait3A_304 : memref<128x32xf32, #tpu.memory_space<vmem>>)
    %dma_wait3A_311 = arith.constant 15 : i32
    %dma_wait3A_312 = arith.constant 1920 : i32
    %dma_wait3A_313 = arith.constant 0 : i32
    %dma_wait3A_314 = tpu.memref_slice %arg6[%dma_wait3A_312, %dma_wait3A_313] : memref<2048x32xf32, #tpu.memory_space<vmem>> -> memref<128x32xf32, #tpu.memory_space<vmem>>
    %dma_wait3A_315 = arith.constant 0 : i32
    %dma_wait3A_316 = tpu.memref_slice %arg5[%dma_wait3A_311, %dma_wait3A_315] : memref<16x128xi32, #tpu.memory_space<vmem>> -> memref<1x128xi32, #tpu.memory_space<vmem>>
    %dma_wait3A_317 = tpu.memref_squeeze %dma_wait3A_316 : memref<1x128xi32, #tpu.memory_space<vmem>> -> memref<128xi32, #tpu.memory_space<vmem>>
    %dma_wait3A_318 = arith.constant 0 : i32
    %dma_wait3A_319 = arith.constant 0 : i32
    %dma_wait3A_320 = tpu.memref_slice %arg2[%dma_wait3A_318, %dma_wait3A_319] : memref<8192x32xf32, #tpu.memory_space<hbm>> -> memref<8192x32xf32, #tpu.memory_space<hbm>>
    tpu.wait_indirect_dma semaphore(%arg7 : memref<!tpu.dma_semaphore, #tpu.memory_space<semaphore_mem>>) src(%dma_wait3A_320 : memref<8192x32xf32, #tpu.memory_space<hbm>>) dst(%dma_wait3A_314 : memref<128x32xf32, #tpu.memory_space<vmem>>)
    %mul3A_321 = arith.constant 2048 : i32
    %mul3A_322 = arith.muli %add3A, %mul3A_321 : i32
    "tpu.region"() ({
      %run_scoped3A = tpu.sem_alloc : memref<!tpu.dma_semaphore, #tpu.memory_space<semaphore_mem>>
      %dma_start3A_323 = arith.constant 0 : i32
      %dma_start3A_324 = tpu.memref_slice %arg4[%mul3A_322, %dma_start3A_323] : memref<65536x32xf32, #tpu.memory_space<hbm>> -> memref<2048x32xf32, #tpu.memory_space<hbm>>
      %dma_start3A_325 = arith.constant 0 : i32
      %dma_start3A_326 = tpu.memref_slice %arg4[%mul3A_322, %dma_start3A_325] : memref<65536x32xf32, #tpu.memory_space<hbm>> -> memref<2048x32xf32, #tpu.memory_space<hbm>>
      tpu.enqueue_dma source(%arg6 : memref<2048x32xf32, #tpu.memory_space<vmem>>) target(%dma_start3A_326 : memref<2048x32xf32, #tpu.memory_space<hbm>>) target_semaphore(%run_scoped3A : memref<!tpu.dma_semaphore, #tpu.memory_space<semaphore_mem>>)
      %dma_wait3A_327 = arith.constant 0 : i32
      %dma_wait3A_328 = tpu.memref_slice %arg4[%mul3A_322, %dma_wait3A_327] : memref<65536x32xf32, #tpu.memory_space<hbm>> -> memref<2048x32xf32, #tpu.memory_space<hbm>>
      %dma_wait3A_329 = arith.constant 0 : i32
      %dma_wait3A_330 = tpu.memref_slice %arg4[%mul3A_322, %dma_wait3A_329] : memref<65536x32xf32, #tpu.memory_space<hbm>> -> memref<2048x32xf32, #tpu.memory_space<hbm>>
      tpu.wait_dma2 semaphore(%run_scoped3A : memref<!tpu.dma_semaphore, #tpu.memory_space<semaphore_mem>>) src(%arg6 : memref<2048x32xf32, #tpu.memory_space<vmem>>) dst(%dma_wait3A_330 : memref<2048x32xf32, #tpu.memory_space<hbm>>)
      tpu.yield
    }) : () -> ()
    return
  }
}

</mosaic_0001>

<sc_bundles>
// kernel: kernel.3.cloned.1.call-start
scs
__scs_entry_jumppad:
0x0: {  	(pc) =	sbr.rel $0x88, $3  }
0x1: {  	(tag) =	ssettag $0x0;
	lr =	simm.s32 $0x1  }
0x2: {  	[smem:$0x3F9F] =	sst lr;
	_ =	strace $0xD0000000  }
0x3: {  	_ = 	snop  }
0x4: {  	_ = 	snop  }
0x5: {  	_ = 	snop  }
0x6: {  	_ = 	snop  }
0x7: {  	_ = 	snop  }
__scs_overlays_trampoline_lowered:
0x8: {  	[smem:$0x3FAE] =	sst s0  }
0x9: {  	[smem:$0x3FAF] =	sst s1  }
0xa: {  	[smem:$0x3FB0] =	sst s2  }
0xb: {  	[smem:$0x3FB1] =	sst s3  }
0xc: {  	[smem:$0x3FB2] =	sst s4  }
0xd: {  	[smem:$0x3FB3] =	sst s5  }
0xe: {  	[smem:$0x3FB4] =	sst s6  }
0xf: {  	[smem:$0x3FB5] =	sst s7  }
0x10: {  	[smem:$0x3FB6] =	sst s8  }
0x11: {  	[smem:$0x3FB7] =	sst s9;
	s0 =	simm.s32 @!p0 $0x0  }
0x12: {  	s1 =	sld [smem:$0x3F9D];
	s0 =	simm.s32 @p0 $0x1  }
0x13: {  	[smem:$0x3FB8] =	sst s0;
	s0 =	simm.s32 @!p1 $0x0  }
0x14: {  	s2 =	sld [smem:$0x3F9C];
	s0 =	simm.s32 @p1 $0x1  }
0x15: {  	[smem:$0x3FB9] =	sst s0;
	s0 =	simm.s32 @!p2 $0x0  }
0x16: {  	s3 =	sld [smem:$0x3FDB];
	s0 =	simm.s32 @p2 $0x1  }
0x17: {  	s4 =	simm.s32 $0x1BF5;
	[smem:$0x3FBB] =	sst s0  }
0x18: {  	s0 =	sld [smem:$0x3F9E];
	_ =	swait.ge [sflag:s4], $0x0  }
0x19: {  	s7 =	sld [smem:$0x3F9F]  }
0x1a: {  	s8 =	sadd.s32 $0xFFFFE003, lr  }
0x1b: {  	s9 =	sadd.s32 $0xFFFFFEF7, lr;
	s5 =	simm.s32 $0xFFFFFFFF;
	p2 =	slt.u32 s8, $0xFFFFF086  }
0x1c: {  	p1 =	slt.u32 s9, $0xF7A;
	s5 =	simm.s32 @!p2 $0x0  }
0x1d: {  	s5 =	simm.s32 @p1 $0x1;
	p0 =	seq.s32 s7, s2  }
0x1e: {  	s7 =	smul.u32 @!p0 $0xF7A, s2;
	p2 =	seq.s32 @!p0 s5, $0x0  }
0x1f: {  	s9 =	smul.u32 $0xF7A, s1;
	s8 =	simm.s32 @!p0 $0x1BF5;
	p2 =	por !p2, p0  }
0x20: {  	[sflag:s8] =	ssyncset.s32 @!p0 $0xFFFFF086;
	s6 =	sadd.s32 @!p0 s3, s7;
	s7 =	simm.s32 @!p0 $0x108  }
0x21: {  	s3 =	sadd.s32 s3, s9;
	s6 =	sadd.s32 @!p0 $0x88, s6;
	s7 =	simm.s32 @p2 $0x1082  }
0x22: {  	[simem:s7], [sflag:s8] =	dma.local @!p0 [hbm:s6], $0xF7A  }
0x23: {  	s9 =	sor.u32 $0xD0000000, s2;
	s6 =	simm.s32 $0x108;
	_ =	swait.ge @!p0 [sflag:s8], $0x0  }
0x24: {  	s3 =	sadd.s32 $0x88, s3;
	s6 =	simm.s32 @!p1 $0x1082;
	[sflag:s4] =	ssyncset.s32 $0xFFFFF086  }
0x25: {  	[simem:s6], [sflag:s4] =	dma.local [hbm:s3], $0xF7A  }
0x26: {  	[smem:$0x3F9F] =	sst s1;
	(tag) =	ssettag s2;
	_ =	strace s9  }
0x27: {  	s1 =	sld [smem:$0x3FAF]  }
0x28: {  	s2 =	sld [smem:$0x3FB0]  }
0x29: {  	s4 =	sld [smem:$0x3FB2]  }
0x2a: {  	p0 =	seq.s32 s5, $0x0;
	s5 =	sld [smem:$0x3FB3]  }
0x2b: {  	s6 =	sld [smem:$0x3FB4]  }
0x2c: {  	s7 =	sld [smem:$0x3FB5]  }
0x2d: {  	s3 =	simm.s32 $0x108;
	s8 =	sld [smem:$0x3FB6]  }
0x2e: {  	s3 =	simm.s32 @!p0 $0x1082;
	s9 =	sld [smem:$0x3FB7]  }
0x2f: {  	lr =	sadd.s32 s0, s3;
	s0 =	sld [smem:$0x3FAE]  }
0x30: {  	s3 =	sld [smem:$0x3FB1]  }
0x31: {  	[smem:$0x3FBA] =	sst s10  }
0x32: {  	s10 =	sld [smem:$0x3FB8];
	_ =	sdelay $0x3  }
0x33: {  	p0 =	seq.s32 s10, $0x1;
	s10 =	sld [smem:$0x3FBA];
	_ =	sdelay $0x3  }
0x34: {  	[smem:$0x3FBA] =	sst s10  }
0x35: {  	s10 =	sld [smem:$0x3FB9];
	_ =	sdelay $0x3  }
0x36: {  	p1 =	seq.s32 s10, $0x1;
	s10 =	sld [smem:$0x3FBA];
	_ =	sdelay $0x3  }
0x37: {  	[smem:$0x3FBA] =	sst s10  }
0x38: {  	s10 =	sld [smem:$0x3FBB]  }
0x39: {  	_ = 	snop;
	(pc) =	sbr.ind lr, $3  }
0x3a: {  	_ = 	snop  }
0x3b: {  	_ = 	snop  }
0x3c: {  	p2 =	seq.s32 s10, $0x1;
	s10 =	sld [smem:$0x3FBA]  }
0x3d: {  	_ =	shalt  }
0x3e: {  	_ =	shalt  }
0x3f: {  	_ =	shalt  }
0x40: {  	_ =	shalt  }
0x41: {  	_ =	shalt  }
0x42: {  	_ =	shalt  }
0x43: {  	_ =	shalt  }
0x44: {  	_ =	shalt  }
0x45: {  	_ =	shalt  }
0x46: {  	_ =	shalt  }
0x47: {  	_ =	shalt  }
0x48: {  	_ =	shalt  }
0x49: {  	_ =	shalt  }
0x4a: {  	_ =	shalt  }
0x4b: {  	_ =	shalt  }
0x4c: {  	_ =	shalt  }
0x4d: {  	_ =	shalt  }
0x4e: {  	_ =	shalt  }
0x4f: {  	_ =	shalt  }
0x50: {  	_ =	shalt  }
0x51: {  	_ =	shalt  }
0x52: {  	_ =	shalt  }
0x53: {  	_ =	shalt  }
0x54: {  	_ =	shalt  }
0x55: {  	_ =	shalt  }
0x56: {  	_ =	shalt  }
0x57: {  	_ =	shalt  }
0x58: {  	_ =	shalt  }
0x59: {  	_ =	shalt  }
0x5a: {  	_ =	shalt  }
0x5b: {  	_ =	shalt  }
0x5c: {  	_ =	shalt  }
0x5d: {  	_ =	shalt  }
0x5e: {  	_ =	shalt  }
0x5f: {  	_ =	shalt  }
0x60: {  	_ =	shalt  }
0x61: {  	_ =	shalt  }
0x62: {  	_ =	shalt  }
0x63: {  	_ =	shalt  }
0x64: {  	_ =	shalt  }
0x65: {  	_ =	shalt  }
0x66: {  	_ =	shalt  }
0x67: {  	_ =	shalt  }
0x68: {  	_ =	shalt  }
0x69: {  	_ =	shalt  }
0x6a: {  	_ =	shalt  }
0x6b: {  	_ =	shalt  }
0x6c: {  	_ =	shalt  }
0x6d: {  	_ =	shalt  }
0x6e: {  	_ =	shalt  }
0x6f: {  	_ =	shalt  }
0x70: {  	_ =	shalt  }
0x71: {  	_ =	shalt  }
0x72: {  	_ =	shalt  }
0x73: {  	_ =	shalt  }
0x74: {  	_ =	shalt  }
0x75: {  	_ =	shalt  }
0x76: {  	_ =	shalt  }
0x77: {  	_ =	shalt  }
0x78: {  	_ =	shalt  }
0x79: {  	_ =	shalt  }
0x7a: {  	_ =	shalt  }
0x7b: {  	_ =	shalt  }
0x7c: {  	_ =	shalt  }
0x7d: {  	_ =	shalt  }
0x7e: {  	_ =	shalt  }
0x7f: {  	_ =	shalt  }
0x80: {  	_ =	shalt  }
0x81: {  	_ =	shalt  }
0x82: {  	_ =	shalt  }
0x83: {  	_ =	shalt  }
0x84: {  	_ =	shalt  }
0x85: {  	_ =	shalt  }
0x86: {  	_ =	shalt  }
0x87: {  	_ =	shalt  }
.Lfunc_end0:
.L_simem_size_0:
called_computation_lowered:
.L_overlay_start_0:
0x88: {  	s2 =	sld [smem:$0x3FD9]  }
0x89: {  	s3 =	sld [smem:$0x3FFE];
	_ =	sdelay $0x1  }
0x8a: {  	s1 =	srdreg.scid  }
0x8b: {  	s0 =	sand.u32 $0x1, s1  }
0x8c: {  	s14 =	sshll.u32 s0, $0xA;
	s2 =	sadd.s32 s3, s2  }
0x8d: {  	s2 =	sadd.s32 s2, s14  }
0x8e: {  	[smem:$0x3FC6] =	sst s2  }
0x8f: {  	_ = 	snop  }
0x90: {  	s2 =	sld [smem:$0x3FD0];
	_ =	sdelay $0x2  }
0x91: {  	s15 =	simm.s32 $0xA;
	s4 =	simm.s32 $0x10  }
0x92: {  	[smem:s4], [sflag:s15] =	dma.local [hbm:s2], $0x1  }
0x93: {  	_ =	swait.eq [sflag:s15], $0x1  }
0x94: {  	[sflag:s15] =	ssyncset.done $0x0  }
0x95: {  	[sflag:s15] =	ssyncadd.s32 $0xFFFFFFFF  }
0x96: {  	s16 =	sld [smem:$0x10];
	(tm) =	ssettm $0x1  }
0x97: {  	s17 =	sld [smem:$0x3FFB];
	_ =	sdelay $0x3  }
0x98: {  	_ =	strace s17  }
0x99: {  	s3 =	sld [smem:$0x3FFC];
	_ =	sdelay $0x3  }
0x9a: {  	_ =	strace s3  }
0x9b: {  	s3 =	sld [smem:$0x3FFD];
	_ =	sdelay $0x3  }
0x9c: {  	_ =	strace s3  }
0x9d: {  	_ =	strace $0x8FFFFFFF  }
0x9e: {  	s18 =	sld [smem:$0x3FDB];
	_ =	sdelay $0x1  }
0x9f: {  	s19 =	simm.s32 $_scs_section_size  }
0xa0: {  	s5 =	simm.s32 $_size__tile_overlayer_lowered;
	s6 =	simm.s32 $_tile_overlayer_lowered  }
0xa1: {  	s22 =	simm.s32 $0x1BFF;
	s21 =	sshll.u32 s6, $0x1;
	s3 =	sadd.s32 s19, s18  }
0xa2: {  	s7 =	simm.s32 $0x0;
	s20 =	sshll.u32 s5, $0x1;
	s5 =	sadd.s32 s21, s3  }
0xa3: {  	[timem:s7], [sflag:s22] =	dma.local [hbm:s5], s20  }
0xa4: {  	_ =	swait.ge [sflag:s22], s20  }
0xa5: {  	s4 =	ssub.s32 $0x0, s20;
	[sflag:s22] =	ssyncset.done $0x0  }
0xa6: {  	[sflag:s22] =	ssyncadd.s32 s4;
	_ =	sdelay $0x1  }
0xa7: {  	s23 =	simm.s32 $0x1B8B  }
0xa8: {  	_ =	swait.ge [sflag:s23], $0x1  }
0xa9: {  	[sflag:s23] =	ssyncset.done $0x0  }
0xaa: {  	s25 =	simm.s32 $0x1B8E;
	s24 =	sld [smem:$0x3FFE];
	[sflag:s23] =	ssyncadd.s32 $0xFFFFFFFF  }
0xab: {  	s26 =	simm.s32 $execute0_lowered;
	[smem:$0x3FD2] =	sst s25  }
0xac: {  	s5 =	sshll.u32 s26, $0x1;
	_ =	strace $0x80000046;
	[dreg:$0x1] =	wrdreg $0xFFFFFFFF  }
0xad: {  	s28 =	simm.s32 $_size_execute0_lowered;
	s3 =	sadd.s32 s3, s5;
	[dreg:$0x0] =	wrdreg $0x0  }
0xae: {  	s5 =	sshll.u32 s28, $0x1;
	[dreg:$0x2] =	wrdreg s3  }
0xaf: {  	[dreg:$0x3] =	wrdreg s5  }
0xb0: {  	[dreg:$0x4] =	wrdreg $0xC0  }
0xb1: {  	_ =	task [dreg:s7], $0x5FFFF  }
0xb2: {  	[dreg:$0x1] =	wrdreg $0xFFFFFFFF  }
0xb3: {  	[dreg:$0x0] =	wrdreg $0x60  }
0xb4: {  	[dreg:$0x2] =	wrdreg s24  }
0xb5: {  	[dreg:$0x3] =	wrdreg s16  }
0xb6: {  	[dreg:$0x4] =	wrdreg $0x9  }
0xb7: {  	_ =	task.clear_ibuf [dreg:s7], $0x5FFFF;
	_ =	strace $0x90000046  }
0xb8: {  	s29 =	simm.s32 $0x9;
	_ =	strace $0x80000048  }
0xb9: {  	_ =	swait.ge [sflag:s29], $0x1  }
0xba: {  	[sflag:s29] =	ssyncadd.s32 $0xFFFFFFFF  }
0xbb: {  	_ =	strace $0x90000048  }
0xbc: {  	_ =	sfence  }
0xbd: {  	s30 =	sld [smem:$0x0];
	_ =	sdelay $0x2  }
0xbe: {  	s31 =	sshll.u32 s1, $0xD;
	s1 =	sshrl.u32 s1, $0x2  }
0xbf: {  	s3 =	sand.u32 $0x4000, s31;
	s1 =	sadd.s32 s1, s30  }
0xc0: {  	s0 =	sor.u32 s3, s0;
	s1 =	sshll.u32 s1, $0x11  }
0xc1: {  	s0 =	sor.u32 s1, s0  }
0xc2: {  	s0 =	sadd.s32 $0x8F2B, s0  }
0xc3: {  	[sflag:s0] =	ssyncadd.remote.s32 $0x1  }
0xc4: {  	_ =	sfence.sel $0xFFFF  }
0xc5: {  	[dreg:$0x0] =	wrdreg $0xFFFFFFFF;
	(pc) =	sbr.abs _section_cstart, $3  }
0xc6: {  	[dreg:$0x1] =	wrdreg $0xFFFFFFFF  }
0xc7: {  	_ =	task.clear_ibuf [dreg:s7], $0x2FFFF;
	_ =	strace $0x9FFFFFFF  }
0xc8: {  	(tm) =	ssettm $0x7FFFFFFF  }
0xc9: {  	_ =	shalt  }
tec
execute0_lowered:
.L_overlay_start_1:
0x0: {  	(tag) =	ssettag $0x1  }
0x1: {  	s1 =	srdreg.scid;
	s5 =	rddreg [dreg:$0x0]  }
0x2: {  	s0 =	stileid.u32;
	s3 =	rddreg [dreg:$0x1]  }
0x3: {  	s20 =	simm.s32 $0x1800;
	s21 =	simm.s32 $0x100;
	s23 =	simm.s32 $0x2800  }
0x4: {  	s24 =	simm.s32 $0x180;
	s25 =	simm.s32 $0x3800;
	s26 =	simm.s32 $0x200  }
0x5: {  	s7 =	simm.s32 $0x80;
	s11 =	simm.s32 $0x300;
	s12 =	simm.s32 $0x6800  }
0x6: {  	s13 =	simm.s32 $0x380;
	s14 =	simm.s32 $0x7800;
	s15 =	simm.s32 $0x400  }
0x7: {  	s16 =	simm.s32 $0x8800;
	s17 =	simm.s32 $0x480;
	s18 =	simm.s32 $0x9800  }
0x8: {  	s19 =	simm.s32 $0x500;
	p0 =	por $0x0, $0x0;
	s28 =	simm.s32 $0x700  }
0x9: {  	s29 =	simm.s32 $0xE800;
	s1 =	sand.u32 $0x1, s1;
	s2 =	sshll.u32 s0, $0x1  }
0xa: {  	s30 =	simm.s32 $0x780;
	s4 =	sor.u32 s1, s2;
	s2 =	simm.s32 $0x0  }
0xb: {  	s31 =	simm.s32 $0xF800;
	s1 =	ssub.s32 $0x2, s1;
	[smem:$0x7FF] =	sst s2  }
0xc: {  	s6 =	sshll.u32 s4, $0x8;
	_ =	strace $0x80000047;
	[dreg:$0x5] =	wrdreg s20  }
0xd: {  	s4 =	sshll.u32 s4, $0xD;
	s22 =	sshrl.u32 s1, $0x1;
	[dreg:$0x6] =	wrdreg s21  }
0xe: {  	s6 =	sadd.s32 s6, s5;
	s1 =	ssub.s32 s1, s22;
	[dreg:$0x7] =	wrdreg s23  }
0xf: {  	s3 =	sadd.s32 s3, s4;
	[dreg:$0x8] =	wrdreg s24;
	s1 =	smax.u32 s1, $0x1  }
0x10: {  	[dreg:$0x9] =	wrdreg s25;
	s4 =	simm.s32 $0x800;
	p1 =	sne.s32 s1, $0x1  }
.Ltmp0:
0x11: {  	[dreg:$0xa] =	wrdreg s26;
	s20 =	simm.s32 $0xA800;
	(pc) =	sbr.rel @!p1 .LBB2_3-.Ltmp0, $4  }
0x12: {  	s21 =	simm.s32 $0x580;
	s22 =	simm.s32 $0xB800;
	s23 =	simm.s32 $0x600  }
0x13: {  	s24 =	simm.s32 $0xC800;
	s25 =	simm.s32 $0x680;
	s26 =	simm.s32 $0xD800  }
0x14: {  	s6 =	sadd.s32 $0x8000, s6;
	[dreg:$0x4] =	wrdreg s3;
	s3 =	simm.s32 $0x2  }
0x15: {  	[dreg:$0x3] =	wrdreg s6;
	s8 =	sadd.s32 $0xFFFFFFFF, s1;
	s6 =	simm.s32 $0x1  }
0x16: {  	s0 =	rddreg [dreg:$0x3]  }
0x17: {  	[tilespmem:s2], [sflag:$0x2] =	stream.linear.gather [hbm4b:s0+s2], $0x800, $0x38;
	[tilespmem:$0x10800] =	vst v63  }
0x18: {  	_ =	swait.ge [sflag:s3], $0x800  }
0x19: {  	s10 =	rddreg [dreg:$0x6]  }
0x1a: {  	s1 =	rddreg [dreg:$0x5]  }
0x1b: {  	s0 =	rddreg [dreg:$0x7]  }
0x1c: {  	[sflag:s3] =	ssyncset.done $0x0;
	[dreg:$0xb] =	wrdreg s10  }
0x1d: {  	[sflag:s3] =	ssyncadd.s32 $0xFFFFF800;
	s10 =	rddreg [dreg:$0x9]  }
0x1e: {  	[tilespmem:s4], [sflag:$0x1] =	stream.indirect.gather [hbm4b:s5+s7], $0x20, s2, s7, $0xb8;
	[tilespmem:$0x10800] =	vst v63  }
0x1f: {  	[dreg:$0xc] =	wrdreg s10  }
0x20: {  	s10 =	rddreg [dreg:$0xb]  }
0x21: {  	[tilespmem:s1], [sflag:$0x1] =	stream.indirect.gather [hbm4b:s5+s7], $0x20, s7, s7, $0xb8;
	[tilespmem:$0x10800] =	vst v63  }
0x22: {  	s1 =	rddreg [dreg:$0x8]  }
0x23: {  	[tilespmem:s0], [sflag:$0x1] =	stream.indirect.gather [hbm4b:s5+s7], $0x20, s10, s7, $0xb8;
	[tilespmem:$0x10800] =	vst v63  }
0x24: {  	s10 =	rddreg [dreg:$0xc]  }
0x25: {  	[tilespmem:s10], [sflag:$0x1] =	stream.indirect.gather [hbm4b:s5+s7], $0x20, s1, s7, $0xb8;
	[tilespmem:$0x10800] =	vst v63  }
0x26: {  	s9 =	simm.s32 $0x4800;
	s0 =	rddreg [dreg:$0xa]  }
0x27: {  	[tilespmem:s9], [sflag:$0x1] =	stream.indirect.gather [hbm4b:s5+s7], $0x20, s0, s7, $0xb8;
	[tilespmem:$0x10800] =	vst v63  }
0x28: {  	s1 =	simm.s32 $0x280;
	s9 =	simm.s32 $0x5800  }
0x29: {  	[tilespmem:s9], [sflag:$0x1] =	stream.indirect.gather [hbm4b:s5+s7], $0x20, s1, s7, $0xb8;
	[tilespmem:$0x10800] =	vst v63  }
0x2a: {  	_ = 	snop  }
0x2b: {  	[tilespmem:s12], [sflag:$0x1] =	stream.indirect.gather [hbm4b:s5+s7], $0x20, s11, s7, $0xb8;
	[tilespmem:$0x10800] =	vst v63  }
0x2c: {  	_ = 	snop  }
0x2d: {  	[tilespmem:s14], [sflag:$0x1] =	stream.indirect.gather [hbm4b:s5+s7], $0x20, s13, s7, $0xb8;
	[tilespmem:$0x10800] =	vst v63  }
0x2e: {  	_ = 	snop  }
0x2f: {  	[tilespmem:s16], [sflag:$0x1] =	stream.indirect.gather [hbm4b:s5+s7], $0x20, s15, s7, $0xb8;
	[tilespmem:$0x10800] =	vst v63  }
0x30: {  	_ = 	snop  }
0x31: {  	[tilespmem:s18], [sflag:$0x1] =	stream.indirect.gather [hbm4b:s5+s7], $0x20, s17, s7, $0xb8;
	[tilespmem:$0x10800] =	vst v63  }
0x32: {  	_ = 	snop  }
0x33: {  	[tilespmem:s20], [sflag:$0x1] =	stream.indirect.gather [hbm4b:s5+s7], $0x20, s19, s7, $0xb8;
	[tilespmem:$0x10800] =	vst v63  }
0x34: {  	_ = 	snop  }
0x35: {  	[tilespmem:s22], [sflag:$0x1] =	stream.indirect.gather [hbm4b:s5+s7], $0x20, s21, s7, $0xb8;
	[tilespmem:$0x10800] =	vst v63  }
0x36: {  	_ = 	snop  }
0x37: {  	[tilespmem:s24], [sflag:$0x1] =	stream.indirect.gather [hbm4b:s5+s7], $0x20, s23, s7, $0xb8;
	[tilespmem:$0x10800] =	vst v63  }
0x38: {  	_ = 	snop  }
0x39: {  	[tilespmem:s26], [sflag:$0x1] =	stream.indirect.gather [hbm4b:s5+s7], $0x20, s25, s7, $0xb8;
	[tilespmem:$0x10800] =	vst v63  }
0x3a: {  	_ = 	snop  }
0x3b: {  	[tilespmem:s29], [sflag:$0x1] =	stream.indirect.gather [hbm4b:s5+s7], $0x20, s28, s7, $0xb8;
	[tilespmem:$0x10800] =	vst v63  }
0x3c: {  	_ = 	snop  }
0x3d: {  	[tilespmem:s31], [sflag:$0x1] =	stream.indirect.gather [hbm4b:s5+s7], $0x20, s30, s7, $0xb8;
	[tilespmem:$0x10800] =	vst v63  }
0x3e: {  	_ =	swait.ge [sflag:s6], $0x1000  }
0x3f: {  	[sflag:s6] =	ssyncset.done $0x0  }
0x40: {  	[sflag:s6] =	ssyncadd.s32 $0xFFFFF000  }
0x41: {  	_ =	swait.ge [sflag:s6], $0x1000  }
0x42: {  	[sflag:s6] =	ssyncset.done $0x0  }
0x43: {  	[sflag:s6] =	ssyncadd.s32 $0xFFFFF000  }
0x44: {  	_ =	swait.ge [sflag:s6], $0x1000  }
0x45: {  	[sflag:s6] =	ssyncset.done $0x0  }
0x46: {  	[sflag:s6] =	ssyncadd.s32 $0xFFFFF000  }
0x47: {  	_ =	swait.ge [sflag:s6], $0x1000  }
0x48: {  	[sflag:s6] =	ssyncset.done $0x0  }
0x49: {  	[sflag:s6] =	ssyncadd.s32 $0xFFFFF000  }
0x4a: {  	_ =	swait.ge [sflag:s6], $0x1000  }
0x4b: {  	[sflag:s6] =	ssyncset.done $0x0  }
0x4c: {  	[sflag:s6] =	ssyncadd.s32 $0xFFFFF000  }
0x4d: {  	_ =	swait.ge [sflag:s6], $0x1000  }
0x4e: {  	[sflag:s6] =	ssyncset.done $0x0  }
0x4f: {  	[sflag:s6] =	ssyncadd.s32 $0xFFFFF000  }
0x50: {  	_ =	swait.ge [sflag:s6], $0x1000  }
0x51: {  	[sflag:s6] =	ssyncset.done $0x0  }
0x52: {  	[sflag:s6] =	ssyncadd.s32 $0xFFFFF000  }
0x53: {  	_ =	swait.ge [sflag:s6], $0x1000  }
0x54: {  	[sflag:s6] =	ssyncset.done $0x0  }
0x55: {  	[sflag:s6] =	ssyncadd.s32 $0xFFFFF000  }
0x56: {  	_ =	swait.ge [sflag:s6], $0x1000  }
0x57: {  	[sflag:s6] =	ssyncset.done $0x0  }
0x58: {  	[sflag:s6] =	ssyncadd.s32 $0xFFFFF000  }
0x59: {  	_ =	swait.ge [sflag:s6], $0x1000  }
0x5a: {  	[sflag:s6] =	ssyncset.done $0x0  }
0x5b: {  	[sflag:s6] =	ssyncadd.s32 $0xFFFFF000  }
0x5c: {  	_ =	swait.ge [sflag:s6], $0x1000  }
0x5d: {  	[sflag:s6] =	ssyncset.done $0x0  }
0x5e: {  	[sflag:s6] =	ssyncadd.s32 $0xFFFFF000  }
0x5f: {  	_ =	swait.ge [sflag:s6], $0x1000  }
0x60: {  	[sflag:s6] =	ssyncset.done $0x0  }
0x61: {  	[sflag:s6] =	ssyncadd.s32 $0xFFFFF000  }
0x62: {  	_ =	swait.ge [sflag:s6], $0x1000  }
0x63: {  	[sflag:s6] =	ssyncset.done $0x0  }
0x64: {  	[sflag:s6] =	ssyncadd.s32 $0xFFFFF000  }
0x65: {  	_ =	swait.ge [sflag:s6], $0x1000  }
0x66: {  	[sflag:s6] =	ssyncset.done $0x0  }
0x67: {  	[sflag:s6] =	ssyncadd.s32 $0xFFFFF000  }
0x68: {  	_ =	swait.ge [sflag:s6], $0x1000  }
0x69: {  	p1 =	sne.s32 s8, $0x1;
	[sflag:s6] =	ssyncset.done $0x0  }
.Ltmp1:
0x6a: {  	[sflag:s6] =	ssyncadd.s32 $0xFFFFF000;
	(pc) =	sbr.rel @!p1 .LBB2_3-.Ltmp1, $4  }
0x6b: {  	_ =	swait.ge [sflag:s6], $0x1000  }
0x6c: {  	p0 =	por $0x1, $0x1;
	[sflag:s6] =	ssyncset.done $0x0  }
0x6d: {  	s1 =	sadd.s32 $0xFFFFFFFF, s8;
	s10 =	rddreg [dreg:$0x4];
	[sflag:s6] =	ssyncadd.s32 $0xFFFFF000  }
0x6e: {  	[hbm4b:s10+s2] =	stream.linear.scatter [tilespmem:s4], [sflag:$0x2], $0x10000, $0x38;
	[tilespmem:$0x10800] =	vst v63  }
.LBB2_2:
0x6f: {  	_ =	swait.ge [sflag:s3], $0x10000  }
0x70: {  	[sflag:s3] =	ssyncset.done $0x0  }
0x71: {  	s0 =	rddreg [dreg:$0x3];
	[sflag:s3] =	ssyncadd.s32 $0xFFFF0000  }
0x72: {  	[tilespmem:s2], [sflag:$0x2] =	stream.linear.gather [hbm4b:s0+s2], $0x800, $0x38;
	[tilespmem:$0x10800] =	vst v63  }
0x73: {  	_ =	swait.ge [sflag:s3], $0x800  }
0x74: {  	s0 =	rddreg [dreg:$0x6];
	[sflag:s3] =	ssyncset.done $0x0  }
0x75: {  	s8 =	rddreg [dreg:$0x5];
	[sflag:s3] =	ssyncadd.s32 $0xFFFFF800  }
0x76: {  	[tilespmem:s4], [sflag:$0x1] =	stream.indirect.gather [hbm4b:s5+s7], $0x20, s2, s7, $0xb8;
	[tilespmem:$0x10800] =	vst v63  }
0x77: {  	s9 =	rddreg [dreg:$0x7]  }
0x78: {  	[tilespmem:s8], [sflag:$0x1] =	stream.indirect.gather [hbm4b:s5+s7], $0x20, s7, s7, $0xb8;
	[tilespmem:$0x10800] =	vst v63  }
0x79: {  	s10 =	rddreg [dreg:$0x9]  }
0x7a: {  	[tilespmem:s9], [sflag:$0x1] =	stream.indirect.gather [hbm4b:s5+s7], $0x20, s0, s7, $0xb8;
	[tilespmem:$0x10800] =	vst v63  }
0x7b: {  	s8 =	rddreg [dreg:$0x8]  }
0x7c: {  	[tilespmem:s10], [sflag:$0x1] =	stream.indirect.gather [hbm4b:s5+s7], $0x20, s8, s7, $0xb8;
	[tilespmem:$0x10800] =	vst v63  }
0x7d: {  	s0 =	rddreg [dreg:$0xa];
	s8 =	simm.s32 $0x4800  }
0x7e: {  	[tilespmem:s8], [sflag:$0x1] =	stream.indirect.gather [hbm4b:s5+s7], $0x20, s0, s7, $0xb8;
	[tilespmem:$0x10800] =	vst v63  }
0x7f: {  	s9 =	simm.s32 $0x280;
	s10 =	simm.s32 $0x5800  }
0x80: {  	[tilespmem:s10], [sflag:$0x1] =	stream.indirect.gather [hbm4b:s5+s7], $0x20, s9, s7, $0xb8;
	[tilespmem:$0x10800] =	vst v63  }
0x81: {  	_ = 	snop  }
0x82: {  	[tilespmem:s12], [sflag:$0x1] =	stream.indirect.gather [hbm4b:s5+s7], $0x20, s11, s7, $0xb8;
	[tilespmem:$0x10800] =	vst v63  }
0x83: {  	_ = 	snop  }
0x84: {  	[tilespmem:s14], [sflag:$0x1] =	stream.indirect.gather [hbm4b:s5+s7], $0x20, s13, s7, $0xb8;
	[tilespmem:$0x10800] =	vst v63  }
0x85: {  	_ = 	snop  }
0x86: {  	[tilespmem:s16], [sflag:$0x1] =	stream.indirect.gather [hbm4b:s5+s7], $0x20, s15, s7, $0xb8;
	[tilespmem:$0x10800] =	vst v63  }
0x87: {  	_ = 	snop  }
0x88: {  	[tilespmem:s18], [sflag:$0x1] =	stream.indirect.gather [hbm4b:s5+s7], $0x20, s17, s7, $0xb8;
	[tilespmem:$0x10800] =	vst v63  }
0x89: {  	_ = 	snop  }
0x8a: {  	[tilespmem:s20], [sflag:$0x1] =	stream.indirect.gather [hbm4b:s5+s7], $0x20, s19, s7, $0xb8;
	[tilespmem:$0x10800] =	vst v63  }
0x8b: {  	_ = 	snop  }
0x8c: {  	[tilespmem:s22], [sflag:$0x1] =	stream.indirect.gather [hbm4b:s5+s7], $0x20, s21, s7, $0xb8;
	[tilespmem:$0x10800] =	vst v63  }
0x8d: {  	_ = 	snop  }
0x8e: {  	[tilespmem:s24], [sflag:$0x1] =	stream.indirect.gather [hbm4b:s5+s7], $0x20, s23, s7, $0xb8;
	[tilespmem:$0x10800] =	vst v63  }
0x8f: {  	_ = 	snop  }
0x90: {  	[tilespmem:s26], [sflag:$0x1] =	stream.indirect.gather [hbm4b:s5+s7], $0x20, s25, s7, $0xb8;
	[tilespmem:$0x10800] =	vst v63  }
0x91: {  	_ = 	snop  }
0x92: {  	[tilespmem:s29], [sflag:$0x1] =	stream.indirect.gather [hbm4b:s5+s7], $0x20, s28, s7, $0xb8;
	[tilespmem:$0x10800] =	vst v63  }
0x93: {  	_ = 	snop  }
0x94: {  	[tilespmem:s31], [sflag:$0x1] =	stream.indirect.gather [hbm4b:s5+s7], $0x20, s30, s7, $0xb8;
	[tilespmem:$0x10800] =	vst v63  }
0x95: {  	_ =	swait.ge [sflag:s6], $0x1000  }
0x96: {  	[sflag:s6] =	ssyncset.done $0x0  }
0x97: {  	[sflag:s6] =	ssyncadd.s32 $0xFFFFF000  }
0x98: {  	_ =	swait.ge [sflag:s6], $0x1000  }
0x99: {  	[sflag:s6] =	ssyncset.done $0x0  }
0x9a: {  	[sflag:s6] =	ssyncadd.s32 $0xFFFFF000  }
0x9b: {  	_ =	swait.ge [sflag:s6], $0x1000  }
0x9c: {  	[sflag:s6] =	ssyncset.done $0x0  }
0x9d: {  	[sflag:s6] =	ssyncadd.s32 $0xFFFFF000  }
0x9e: {  	_ =	swait.ge [sflag:s6], $0x1000  }
0x9f: {  	[sflag:s6] =	ssyncset.done $0x0  }
0xa0: {  	[sflag:s6] =	ssyncadd.s32 $0xFFFFF000  }
0xa1: {  	_ =	swait.ge [sflag:s6], $0x1000  }
0xa2: {  	[sflag:s6] =	ssyncset.done $0x0  }
0xa3: {  	[sflag:s6] =	ssyncadd.s32 $0xFFFFF000  }
0xa4: {  	_ =	swait.ge [sflag:s6], $0x1000  }
0xa5: {  	[sflag:s6] =	ssyncset.done $0x0  }
0xa6: {  	[sflag:s6] =	ssyncadd.s32 $0xFFFFF000  }
0xa7: {  	_ =	swait.ge [sflag:s6], $0x1000  }
0xa8: {  	[sflag:s6] =	ssyncset.done $0x0  }
0xa9: {  	[sflag:s6] =	ssyncadd.s32 $0xFFFFF000  }
0xaa: {  	_ =	swait.ge [sflag:s6], $0x1000  }
0xab: {  	[sflag:s6] =	ssyncset.done $0x0  }
0xac: {  	[sflag:s6] =	ssyncadd.s32 $0xFFFFF000  }
0xad: {  	_ =	swait.ge [sflag:s6], $0x1000  }
0xae: {  	[sflag:s6] =	ssyncset.done $0x0  }
0xaf: {  	[sflag:s6] =	ssyncadd.s32 $0xFFFFF000  }
0xb0: {  	_ =	swait.ge [sflag:s6], $0x1000  }
0xb1: {  	[sflag:s6] =	ssyncset.done $0x0  }
0xb2: {  	[sflag:s6] =	ssyncadd.s32 $0xFFFFF000  }
0xb3: {  	_ =	swait.ge [sflag:s6], $0x1000  }
0xb4: {  	[sflag:s6] =	ssyncset.done $0x0  }
0xb5: {  	[sflag:s6] =	ssyncadd.s32 $0xFFFFF000  }
0xb6: {  	_ =	swait.ge [sflag:s6], $0x1000  }
0xb7: {  	[sflag:s6] =	ssyncset.done $0x0  }
0xb8: {  	[sflag:s6] =	ssyncadd.s32 $0xFFFFF000  }
0xb9: {  	_ =	swait.ge [sflag:s6], $0x1000  }
0xba: {  	[sflag:s6] =	ssyncset.done $0x0  }
0xbb: {  	[sflag:s6] =	ssyncadd.s32 $0xFFFFF000  }
0xbc: {  	_ =	swait.ge [sflag:s6], $0x1000  }
0xbd: {  	[sflag:s6] =	ssyncset.done $0x0  }
0xbe: {  	[sflag:s6] =	ssyncadd.s32 $0xFFFFF000  }
0xbf: {  	_ =	swait.ge [sflag:s6], $0x1000  }
0xc0: {  	p1 =	sne.s32 s1, $0x1;
	[sflag:s6] =	ssyncset.done $0x0  }
.Ltmp2:
0xc1: {  	[sflag:s6] =	ssyncadd.s32 $0xFFFFF000;
	(pc) =	sbr.rel @p1 .LBB2_2-.Ltmp2, $4  }
0xc2: {  	_ =	swait.ge [sflag:s6], $0x1000  }
0xc3: {  	[sflag:s6] =	ssyncset.done $0x0  }
0xc4: {  	s1 =	sadd.s32 $0xFFFFFFFF, s1;
	s10 =	rddreg [dreg:$0x4];
	[sflag:s6] =	ssyncadd.s32 $0xFFFFF000  }
0xc5: {  	[hbm4b:s10+s2] =	stream.linear.scatter [tilespmem:s4], [sflag:$0x2], $0x10000, $0x38;
	[tilespmem:$0x10800] =	vst v63  }
.LBB2_3:
0xc6: {  	_ =	swait.ge @p0 [sflag:s3], $0x10000  }
0xc7: {  	[sflag:s3] =	ssyncset.done @p0 $0x0  }
0xc8: {  	s0 =	rddreg [dreg:$0x3];
	[sflag:s3] =	ssyncadd.s32 @p0 $0xFFFF0000  }
0xc9: {  	[tilespmem:s2], [sflag:$0x2] =	stream.linear.gather [hbm4b:s0+s2], $0x800, $0x38;
	[tilespmem:$0x10800] =	vst v63  }
0xca: {  	_ =	swait.ge [sflag:s3], $0x800  }
0xcb: {  	[sflag:s3] =	ssyncset.done $0x0;
	s10 =	rddreg [dreg:$0x5]  }
0xcc: {  	s0 =	rddreg [dreg:$0x6];
	[sflag:s3] =	ssyncadd.s32 $0xFFFFF800  }
0xcd: {  	[tilespmem:s4], [sflag:$0x1] =	stream.indirect.gather [hbm4b:s5+s7], $0x20, s2, s7, $0xb8;
	[tilespmem:$0x10800] =	vst v63  }
0xce: {  	s1 =	rddreg [dreg:$0x7]  }
0xcf: {  	[tilespmem:s10], [sflag:$0x1] =	stream.indirect.gather [hbm4b:s5+s7], $0x20, s7, s7, $0xb8;
	[tilespmem:$0x10800] =	vst v63  }
0xd0: {  	s8 =	rddreg [dreg:$0x9]  }
0xd1: {  	[tilespmem:s1], [sflag:$0x1] =	stream.indirect.gather [hbm4b:s5+s7], $0x20, s0, s7, $0xb8;
	[tilespmem:$0x10800] =	vst v63  }
0xd2: {  	s9 =	rddreg [dreg:$0x8]  }
0xd3: {  	[tilespmem:s8], [sflag:$0x1] =	stream.indirect.gather [hbm4b:s5+s7], $0x20, s9, s7, $0xb8;
	[tilespmem:$0x10800] =	vst v63  }
0xd4: {  	s10 =	simm.s32 $0x4800;
	s1 =	rddreg [dreg:$0xa]  }
0xd5: {  	[tilespmem:s10], [sflag:$0x1] =	stream.indirect.gather [hbm4b:s5+s7], $0x20, s1, s7, $0xb8;
	[tilespmem:$0x10800] =	vst v63  }
0xd6: {  	s9 =	simm.s32 $0x5800;
	s10 =	simm.s32 $0x280  }
0xd7: {  	[tilespmem:s9], [sflag:$0x1] =	stream.indirect.gather [hbm4b:s5+s7], $0x20, s10, s7, $0xb8;
	[tilespmem:$0x10800] =	vst v63  }
0xd8: {  	_ = 	snop  }
0xd9: {  	[tilespmem:s12], [sflag:$0x1] =	stream.indirect.gather [hbm4b:s5+s7], $0x20, s11, s7, $0xb8;
	[tilespmem:$0x10800] =	vst v63  }
0xda: {  	_ = 	snop  }
0xdb: {  	[tilespmem:s14], [sflag:$0x1] =	stream.indirect.gather [hbm4b:s5+s7], $0x20, s13, s7, $0xb8;
	[tilespmem:$0x10800] =	vst v63  }
0xdc: {  	_ = 	snop  }
0xdd: {  	[tilespmem:s16], [sflag:$0x1] =	stream.indirect.gather [hbm4b:s5+s7], $0x20, s15, s7, $0xb8;
	[tilespmem:$0x10800] =	vst v63  }
0xde: {  	_ = 	snop  }
0xdf: {  	[tilespmem:s18], [sflag:$0x1] =	stream.indirect.gather [hbm4b:s5+s7], $0x20, s17, s7, $0xb8;
	[tilespmem:$0x10800] =	vst v63  }
0xe0: {  	_ = 	snop  }
0xe1: {  	[tilespmem:s20], [sflag:$0x1] =	stream.indirect.gather [hbm4b:s5+s7], $0x20, s19, s7, $0xb8;
	[tilespmem:$0x10800] =	vst v63  }
0xe2: {  	_ = 	snop  }
0xe3: {  	[tilespmem:s22], [sflag:$0x1] =	stream.indirect.gather [hbm4b:s5+s7], $0x20, s21, s7, $0xb8;
	[tilespmem:$0x10800] =	vst v63  }
0xe4: {  	_ = 	snop  }
0xe5: {  	[tilespmem:s24], [sflag:$0x1] =	stream.indirect.gather [hbm4b:s5+s7], $0x20, s23, s7, $0xb8;
	[tilespmem:$0x10800] =	vst v63  }
0xe6: {  	_ = 	snop  }
0xe7: {  	[tilespmem:s26], [sflag:$0x1] =	stream.indirect.gather [hbm4b:s5+s7], $0x20, s25, s7, $0xb8;
	[tilespmem:$0x10800] =	vst v63  }
0xe8: {  	_ = 	snop  }
0xe9: {  	[tilespmem:s29], [sflag:$0x1] =	stream.indirect.gather [hbm4b:s5+s7], $0x20, s28, s7, $0xb8;
	[tilespmem:$0x10800] =	vst v63  }
0xea: {  	_ = 	snop  }
0xeb: {  	[tilespmem:s31], [sflag:$0x1] =	stream.indirect.gather [hbm4b:s5+s7], $0x20, s30, s7, $0xb8;
	[tilespmem:$0x10800] =	vst v63  }
0xec: {  	_ =	swait.ge [sflag:s6], $0x1000  }
0xed: {  	[sflag:s6] =	ssyncset.done $0x0  }
0xee: {  	[sflag:s6] =	ssyncadd.s32 $0xFFFFF000  }
0xef: {  	_ =	swait.ge [sflag:s6], $0x1000  }
0xf0: {  	[sflag:s6] =	ssyncset.done $0x0  }
0xf1: {  	[sflag:s6] =	ssyncadd.s32 $0xFFFFF000  }
0xf2: {  	_ =	swait.ge [sflag:s6], $0x1000  }
0xf3: {  	[sflag:s6] =	ssyncset.done $0x0  }
0xf4: {  	[sflag:s6] =	ssyncadd.s32 $0xFFFFF000  }
0xf5: {  	_ =	swait.ge [sflag:s6], $0x1000  }
0xf6: {  	[sflag:s6] =	ssyncset.done $0x0  }
0xf7: {  	[sflag:s6] =	ssyncadd.s32 $0xFFFFF000  }
0xf8: {  	_ =	swait.ge [sflag:s6], $0x1000  }
0xf9: {  	[sflag:s6] =	ssyncset.done $0x0  }
0xfa: {  	[sflag:s6] =	ssyncadd.s32 $0xFFFFF000  }
0xfb: {  	_ =	swait.ge [sflag:s6], $0x1000  }
0xfc: {  	[sflag:s6] =	ssyncset.done $0x0  }
0xfd: {  	[sflag:s6] =	ssyncadd.s32 $0xFFFFF000  }
0xfe: {  	_ =	swait.ge [sflag:s6], $0x1000  }
0xff: {  	[sflag:s6] =	ssyncset.done $0x0  }
0x100: {  	[sflag:s6] =	ssyncadd.s32 $0xFFFFF000  }
0x101: {  	_ =	swait.ge [sflag:s6], $0x1000  }
0x102: {  	[sflag:s6] =	ssyncset.done $0x0  }
0x103: {  	[sflag:s6] =	ssyncadd.s32 $0xFFFFF000  }
0x104: {  	_ =	swait.ge [sflag:s6], $0x1000  }
0x105: {  	[sflag:s6] =	ssyncset.done $0x0  }
0x106: {  	[sflag:s6] =	ssyncadd.s32 $0xFFFFF000  }
0x107: {  	_ =	swait.ge [sflag:s6], $0x1000  }
0x108: {  	[sflag:s6] =	ssyncset.done $0x0  }
0x109: {  	[sflag:s6] =	ssyncadd.s32 $0xFFFFF000  }
0x10a: {  	_ =	swait.ge [sflag:s6], $0x1000  }
0x10b: {  	[sflag:s6] =	ssyncset.done $0x0  }
0x10c: {  	[sflag:s6] =	ssyncadd.s32 $0xFFFFF000  }
0x10d: {  	_ =	swait.ge [sflag:s6], $0x1000  }
0x10e: {  	[sflag:s6] =	ssyncset.done $0x0  }
0x10f: {  	[sflag:s6] =	ssyncadd.s32 $0xFFFFF000  }
0x110: {  	_ =	swait.ge [sflag:s6], $0x1000  }
0x111: {  	[sflag:s6] =	ssyncset.done $0x0  }
0x112: {  	[sflag:s6] =	ssyncadd.s32 $0xFFFFF000  }
0x113: {  	_ =	swait.ge [sflag:s6], $0x1000  }
0x114: {  	[sflag:s6] =	ssyncset.done $0x0  }
0x115: {  	[sflag:s6] =	ssyncadd.s32 $0xFFFFF000  }
0x116: {  	_ =	swait.ge [sflag:s6], $0x1000  }
0x117: {  	[sflag:s6] =	ssyncset.done $0x0  }
0x118: {  	[sflag:s6] =	ssyncadd.s32 $0xFFFFF000  }
0x119: {  	_ =	swait.ge [sflag:s6], $0x1000  }
0x11a: {  	[sflag:s6] =	ssyncset.done $0x0  }
0x11b: {  	s30 =	rddreg [dreg:$0x4];
	[sflag:s6] =	ssyncadd.s32 $0xFFFFF000  }
0x11c: {  	[hbm4b:s30+s2] =	stream.linear.scatter [tilespmem:s4], [sflag:$0x2], $0x10000, $0x38;
	[tilespmem:$0x10800] =	vst v63  }
0x11d: {  	_ =	swait.ge [sflag:s3], $0x10000  }
0x11e: {  	[sflag:s3] =	ssyncset.done $0x0  }
0x11f: {  	[sflag:s3] =	ssyncadd.s32 $0xFFFF0000  }
0x120: {  	_ =	sfence.sel $0x180000  }
0x121: {  	[bflag:$0x0] =	sbarrier.arrive $0xFFFF  }
0x122: {  	_ =	strace $0x90000047  }
0x123: {  	s31 =	stileid.u32;
	[bflag:$0x2] =	sbarrier.arrive $0xFFFF  }
0x124: {  	p0 =	sne.s32 s31, $0x0;
	s0 =	rddreg [dreg:$0x2]  }
0x125: {  	s0 =	sadd.s32 @!p0 $0x100000, s0  }
0x126: {  	[sflag:s0] =	ssyncadd.tile.s32 @!p0 $0x1;
	_ =	shalt  }
.Lfunc_end2:
_tile_overlayer_lowered:
.L_overlay_start_2:
0x127: {  	(tag) =	ssettag $0x2  }
0x128: {  	s0 =	rddreg [dreg:$0x0];
	s2 =	stileid.u32  }
0x129: {  	s1 =	rddreg [dreg:$0x1];
	p0 =	sne.s32 s2, $0x0  }
0x12a: {  	s3 =	rddreg [dreg:$0x2];
	[bflag:$0x3] =	sbarrier.arrive $0xFFFF;
	s2 =	simm.s32 @!p0 $0x1C02  }
0x12b: {  	[timem:s3], [sflag:s2] =	dma.local @!p0 [hbm:s0], s1  }
0x12c: {  	s0 =	simm.s32 @!p0 $0x2  }
0x12d: {  	_ =	swait.ge @!p0 [sflag:s0], s1  }
0x12e: {  	s1 =	ssub.s32 @!p0 $0x0, s1;
	[sflag:s0] =	ssyncset.done @!p0 $0x0  }
0x12f: {  	[sflag:s0] =	ssyncadd.s32 @!p0 s1  }
0x130: {  	[bflag:$0x3] =	sbarrier.arrive $0xFFFF  }
0x131: {  	_ =	shalt  }

</sc_bundles>
